<compile_context>
chip_gen: v7x
topology: tpu7x:2x2x1
jax: 0.10.2.dev20260603
libtpu: 0.0.44.dev20260713+nightly
codegen_flags: <defaults>
</compile_context>

<pallas_src>
import dataclasses
import functools
import jax
import jax.numpy as jnp
from jax import lax
from jax.experimental import pallas as pl
from jax.experimental.pallas import tpu as pltpu
from jax.experimental.pallas import tpu_sc as plsc

D_FF = 11008
D_MODEL = 4096
NC, NS, L = 2, 16, 16
NW = NC * NS
NB = 8
UNROLL = 4

SPLIT = 6912
BK = 768
REST = D_FF - SPLIT
CAP = REST // NW
IDXCAP = CAP + 2 * NB

_mesh = plsc.VectorSubcoreMesh(core_axis_name="c", subcore_axis_name="s",
                               num_cores=NC, num_subcores=NS)

_sc_params = pltpu.CompilerParams()
if "needs_layout_passes" in pltpu.CompilerParams.__dataclass_fields__:
    _sc_params = dataclasses.replace(_sc_params, needs_layout_passes=False)


@functools.partial(
    pl.kernel,
    out_type=jax.ShapeDtypeStruct((NW, D_MODEL), jnp.float32),
    mesh=_mesh,
    scratch_types=[
        pltpu.VMEM((CAP,), jnp.float32),
        pltpu.VMEM((CAP,), jnp.float32),
        pltpu.VMEM((L,), jnp.float32),
        pltpu.VMEM((IDXCAP,), jnp.int32),
        pltpu.VMEM((IDXCAP,), jnp.float32),
        pltpu.VMEM((D_MODEL,), jnp.float32),
        pltpu.VMEM((NB, D_MODEL), jnp.float32),
        pltpu.VMEM((NB, D_MODEL), jnp.float32),
        pltpu.SemaphoreType.DMA,
        pltpu.SemaphoreType.DMA,
    ],
    compiler_params=_sc_params,
)
def _sc_masked_gemv(x_hbm, wn_hbm, t_hbm, w_hbm, part_hbm,
                    xv, wnv, tvv, idxb, xcv, acc, rows0, rows1, sem0, sem1):
    cid = lax.axis_index("c")
    sid = lax.axis_index("s")
    wid = cid * NS + sid
    base = SPLIT + wid * CAP

    pltpu.sync_copy(x_hbm.at[pl.ds(base, CAP)], xv)
    pltpu.sync_copy(wn_hbm.at[pl.ds(base, CAP)], wnv)
    pltpu.sync_copy(t_hbm, tvv)
    tv = tvv[...]
    lanes = lax.iota(jnp.int32, L)

    def comp_body(c, pos):
        xc = xv[pl.ds(c * L, L)]
        wc = wnv[pl.ds(c * L, L)]
        gidx = base + c * L + lanes
        m = jnp.abs(xc) * wc >= tv
        mi = m.astype(jnp.int32)
        offs = plsc.cumsum(mi) - 1 + pos
        plsc.store_scatter(idxb, [offs], gidx, mask=m)
        plsc.store_scatter(xcv, [offs], xc, mask=m)
        return pos + jnp.sum(mi)

    pos = lax.fori_loop(0, CAP // L, comp_body, jnp.int32(0))

    padpos = pos + lanes
    mpad = padpos < IDXCAP
    plsc.store_scatter(idxb, [padpos],
                       jnp.full((L,), SPLIT, jnp.int32), mask=mpad)
    plsc.store_scatter(xcv, [padpos],
                       jnp.zeros((L,), jnp.float32), mask=mpad)
    npair = (jnp.maximum(pos, 1) + (2 * NB - 1)) // (2 * NB)

    zero = jnp.zeros((L,), jnp.float32)

    @pl.loop(0, D_MODEL // L)
    def _(c):
        acc[pl.ds(c * L, L)] = zero

    def accum(b, rows):
        xv16 = xcv[pl.ds(b * NB, L)]
        wjs = [jnp.sum(jnp.where(lanes == j, xv16, jnp.float32(0.0)))
               for j in range(NB)]

        @pl.loop(0, D_MODEL // L, step=UNROLL)
        def _(c0):
            for u in range(UNROLL):
                sl = pl.ds((c0 + u) * L, L)
                terms = [wjs[j] * rows[j, sl] for j in range(NB)]
                while len(terms) > 1:
                    nxt = [terms[k] + terms[k + 1]
                           for k in range(0, len(terms) - 1, 2)]
                    if len(terms) % 2:
                        nxt.append(terms[-1])
                    terms = nxt
                acc[sl] += terms[0]

    def pair_body(i, carry):
        b0 = 2 * i
        pltpu.async_copy(w_hbm.at[idxb.at[pl.ds(b0 * NB, NB)]],
                         rows0, sem0).wait()
        accum(b0, rows0)
        pltpu.async_copy(w_hbm.at[idxb.at[pl.ds((b0 + 1) * NB, NB)]],
                         rows1, sem1).wait()
        accum(b0 + 1, rows1)
        return carry

    lax.fori_loop(0, npair, pair_body, jnp.int32(0))

    pltpu.sync_copy(acc, part_hbm.at[wid])


def _tc_body(t_ref, x_ref, wn_ref, o_ref, w_ref, y_ref):
    i = pl.program_id(0)
    xb = x_ref[...]
    m = jnp.abs(xb) * wn_ref[...] >= t_ref[0]
    xm = jnp.where(m, xb, jnp.float32(0.0))
    xm_col = jnp.reshape(xm, (BK, 1))
    part = jnp.sum(w_ref[...] * xm_col, axis=0, keepdims=True)

    @pl.when(i == 0)
    def _():
        y_ref[...] = o_ref[...] + part

    @pl.when(i > 0)
    def _():
        y_ref[...] += part


def _combine_body(t_ref, p_ref, y_ref):
    y_ref[...] = t_ref[...] + jnp.sum(p_ref[...], axis=0, keepdims=True)


def kernel(x, W_t, W_norm, thresh, out):
    xf = x.reshape(-1)
    t1 = jnp.reshape(thresh, (1,))
    tc_y = pl.pallas_call(
        _tc_body,
        grid=(SPLIT // BK,),
        in_specs=[
            pl.BlockSpec(memory_space=pltpu.SMEM),
            pl.BlockSpec((1, BK), lambda i: (0, i)),
            pl.BlockSpec((1, BK), lambda i: (0, i)),
            pl.BlockSpec((1, D_MODEL), lambda i: (0, 0)),
            pl.BlockSpec((BK, D_MODEL), lambda i: (i, 0)),
        ],
        out_specs=pl.BlockSpec((1, D_MODEL), lambda i: (0, 0)),
        out_shape=jax.ShapeDtypeStruct((1, D_MODEL), jnp.float32),
        compiler_params=pltpu.CompilerParams(
            dimension_semantics=("arbitrary",),
        ),
    )(t1, xf.reshape(1, D_FF), W_norm.reshape(1, D_FF),
      out.reshape(1, D_MODEL), W_t)

    t16 = jnp.full((L,), thresh, jnp.float32)
    partials = _sc_masked_gemv(xf, W_norm, t16, W_t)

    y = pl.pallas_call(
        _combine_body,
        out_shape=jax.ShapeDtypeStruct((1, D_MODEL), jnp.float32),
    )(tc_y, partials)
    return y.reshape(D_MODEL)

# --- scband reference (transcript-rebuilt; emitter-appended) ---
"""Pipeline reference for scband-masked-input-linear-kernel-67645734912034 (READ-ONLY COPY).

The authoritative reference and input builder live on the scoring server;
editing this copy changes nothing except your own understanding.
"""

import jax, jax.numpy as jnp
import numpy as np

D_FF = 11008
D_MODEL = 4096


def setup_inputs(seed: int = 0) -> dict:
    key = jax.random.key(seed)
    k1, k2 = jax.random.split(key)
    x = jax.random.normal(k1, (1, 1, D_FF), dtype=jnp.float32)
    # W_t is the transposed down_proj weight: [d_ff, d_model]
    W_t = jax.random.normal(k2, (D_FF, D_MODEL), dtype=jnp.float32) * 0.02
    # W_norm = ||orig_W[:, j]||_2 over d_model == row norms of W_t
    W_norm = jnp.linalg.norm(W_t, axis=1)
    thresh = jnp.float32(0.8)
    out = jnp.zeros((D_MODEL,), dtype=jnp.float32)
    return {"x": x, "W_t": W_t, "W_norm": W_norm, "thresh": thresh, "out": out}


def reference(x, W_t, W_norm, thresh, out):
    # Threshold mask over the d_ff input dimension: |x| * W_norm >= thresh
    xf = x.reshape(-1)
    m = (jnp.abs(xf) * W_norm) >= thresh
    # Kernel gathers only masked rows of W_t and accumulates
    # y[n] += sum_m W_t[m, n] * x[m]  (atomic_add into provided output)
    xm = jnp.where(m, xf, jnp.float32(0.0))
    y = out + xm @ W_t
    return y

if __name__ == "__main__":
    import jax
    _d = setup_inputs()
    print(jax.jit(kernel)(*tuple(_d.values())))

</pallas_src>

<mosaic_0001>
#map = affine_map<(d0, d1) -> (0)>
#map1 = affine_map<(d0, d1) -> (0, 0)>
module attributes {stable_mosaic.version = 14 : i64} {
  func.func @_sc_masked_gemv(%arg0: i32, %arg1: i32, %arg2: memref<11008xf32, #tpu.memory_space<hbm>>, %arg3: memref<11008xf32, #tpu.memory_space<hbm>>, %arg4: memref<16xf32, #tpu.memory_space<hbm>>, %arg5: memref<11008x4096xf32, #tpu.memory_space<hbm>>, %arg6: memref<32x4096xf32, #tpu.memory_space<hbm>>, %arg7: memref<128xf32, #tpu.memory_space<vmem>>, %arg8: memref<128xf32, #tpu.memory_space<vmem>>, %arg9: memref<16xf32, #tpu.memory_space<vmem>>, %arg10: memref<144xi32, #tpu.memory_space<vmem>>, %arg11: memref<144xf32, #tpu.memory_space<vmem>>, %arg12: memref<4096xf32, #tpu.memory_space<vmem>>, %arg13: memref<8x4096xf32, #tpu.memory_space<vmem>>, %arg14: memref<8x4096xf32, #tpu.memory_space<vmem>>, %arg15: memref<!tpu.dma_semaphore, #tpu.memory_space<semaphore_mem>>, %arg16: memref<!tpu.dma_semaphore, #tpu.memory_space<semaphore_mem>>) attributes {dimension_semantics = [#tpu.dimension_semantics<core_parallel>, #tpu.dimension_semantics<subcore_parallel>], iteration_bounds = array<i64: 2, 16>, scalar_prefetch = 0 : i64, scratch_operands = 10 : i64, tpu.core_type = #tpu.core_type<sc_vector_subcore>, window_params = [{transform_indices = #map}, {transform_indices = #map}, {transform_indices = #map}, {transform_indices = #map1}, {transform_indices = #map1}]} {
    %mul3A = arith.constant 16 : i32
    %mul3A_0 = arith.muli %arg0, %mul3A : i32
    %add3A = arith.addi %mul3A_0, %arg1 : i32
    %mul3A_1 = arith.constant 128 : i32
    %mul3A_2 = arith.muli %add3A, %mul3A_1 : i32
    %add3A_3 = arith.constant 6912 : i32
    %add3A_4 = arith.addi %add3A_3, %mul3A_2 : i32
    "tpu.region"() ({
      %run_scoped3A = tpu.sem_alloc : memref<!tpu.dma_semaphore, #tpu.memory_space<semaphore_mem>>
      %dma_start3A = tpu.memref_slice %arg2[%add3A_4] : memref<11008xf32, #tpu.memory_space<hbm>> -> memref<128xf32, #tpu.memory_space<hbm>>
      %dma_start3A_54 = tpu.memref_slice %arg2[%add3A_4] : memref<11008xf32, #tpu.memory_space<hbm>> -> memref<128xf32, #tpu.memory_space<hbm>>
      tpu.enqueue_dma source(%dma_start3A_54 : memref<128xf32, #tpu.memory_space<hbm>>) target(%arg7 : memref<128xf32, #tpu.memory_space<vmem>>) target_semaphore(%run_scoped3A : memref<!tpu.dma_semaphore, #tpu.memory_space<semaphore_mem>>)
      %dma_wait3A = tpu.memref_slice %arg2[%add3A_4] : memref<11008xf32, #tpu.memory_space<hbm>> -> memref<128xf32, #tpu.memory_space<hbm>>
      %dma_wait3A_55 = tpu.memref_slice %arg2[%add3A_4] : memref<11008xf32, #tpu.memory_space<hbm>> -> memref<128xf32, #tpu.memory_space<hbm>>
      tpu.wait_dma2 semaphore(%run_scoped3A : memref<!tpu.dma_semaphore, #tpu.memory_space<semaphore_mem>>) src(%dma_wait3A_55 : memref<128xf32, #tpu.memory_space<hbm>>) dst(%arg7 : memref<128xf32, #tpu.memory_space<vmem>>)
      tpu.yield
    }) : () -> ()
    "tpu.region"() ({
      %run_scoped3A = tpu.sem_alloc : memref<!tpu.dma_semaphore, #tpu.memory_space<semaphore_mem>>
      %dma_start3A = tpu.memref_slice %arg3[%add3A_4] : memref<11008xf32, #tpu.memory_space<hbm>> -> memref<128xf32, #tpu.memory_space<hbm>>
      %dma_start3A_54 = tpu.memref_slice %arg3[%add3A_4] : memref<11008xf32, #tpu.memory_space<hbm>> -> memref<128xf32, #tpu.memory_space<hbm>>
      tpu.enqueue_dma source(%dma_start3A_54 : memref<128xf32, #tpu.memory_space<hbm>>) target(%arg8 : memref<128xf32, #tpu.memory_space<vmem>>) target_semaphore(%run_scoped3A : memref<!tpu.dma_semaphore, #tpu.memory_space<semaphore_mem>>)
      %dma_wait3A = tpu.memref_slice %arg3[%add3A_4] : memref<11008xf32, #tpu.memory_space<hbm>> -> memref<128xf32, #tpu.memory_space<hbm>>
      %dma_wait3A_55 = tpu.memref_slice %arg3[%add3A_4] : memref<11008xf32, #tpu.memory_space<hbm>> -> memref<128xf32, #tpu.memory_space<hbm>>
      tpu.wait_dma2 semaphore(%run_scoped3A : memref<!tpu.dma_semaphore, #tpu.memory_space<semaphore_mem>>) src(%dma_wait3A_55 : memref<128xf32, #tpu.memory_space<hbm>>) dst(%arg8 : memref<128xf32, #tpu.memory_space<vmem>>)
      tpu.yield
    }) : () -> ()
    "tpu.region"() ({
      %run_scoped3A = tpu.sem_alloc : memref<!tpu.dma_semaphore, #tpu.memory_space<semaphore_mem>>
      tpu.enqueue_dma source(%arg4 : memref<16xf32, #tpu.memory_space<hbm>>) target(%arg9 : memref<16xf32, #tpu.memory_space<vmem>>) target_semaphore(%run_scoped3A : memref<!tpu.dma_semaphore, #tpu.memory_space<semaphore_mem>>)
      tpu.wait_dma2 semaphore(%run_scoped3A : memref<!tpu.dma_semaphore, #tpu.memory_space<semaphore_mem>>) src(%arg4 : memref<16xf32, #tpu.memory_space<hbm>>) dst(%arg9 : memref<16xf32, #tpu.memory_space<vmem>>)
      tpu.yield
    }) : () -> ()
    %get3A = arith.constant 0 : index
    %get3A_5 = tpu.vector_load %arg9[%get3A] {strides = array<i32>} : memref<16xf32, #tpu.memory_space<vmem>>, vector<16xf32>,
    %iota3A = tpu.iota {dimensions = array<i32: 0>} : vector<16xi32>
    %scan3A = arith.constant 0 : i32
    %scan3A_6 = arith.constant 0 : i32
    %scan3A_7 = arith.constant 8 : i32
    %scan3A_8 = arith.addi %scan3A_6, %scan3A_7 : i32
    %scan3A_9 = arith.constant 1 : i32
    %scan3A_10 = scf.for %scan3A_54 = %scan3A_6 to %scan3A_8 step %scan3A_9 iter_args(%scan3A_55 = %scan3A) -> (i32)  : i32 {
      %mul3A_56 = arith.constant 16 : i32
      %mul3A_57 = arith.muli %scan3A_54, %mul3A_56 : i32
      %get3A_58 = arith.index_cast %mul3A_57 : i32 to index
      %get3A_59 = tpu.vector_load %arg7[%get3A_58] {strides = array<i32>} : memref<128xf32, #tpu.memory_space<vmem>>, vector<16xf32>,
      %mul3A_60 = arith.constant 16 : i32
      %mul3A_61 = arith.muli %scan3A_54, %mul3A_60 : i32
      %get3A_62 = arith.index_cast %mul3A_61 : i32 to index
      %get3A_63 = tpu.vector_load %arg8[%get3A_62] {strides = array<i32>} : memref<128xf32, #tpu.memory_space<vmem>>, vector<16xf32>,
      %mul3A_64 = arith.constant 16 : i32
      %mul3A_65 = arith.muli %scan3A_54, %mul3A_64 : i32
      %add3A_66 = arith.addi %add3A_4, %mul3A_65 : i32
      %add3A_67 = vector.broadcast %add3A_66 : i32 to vector<16xi32>
      %add3A_68 = arith.addi %add3A_67, %iota3A : vector<16xi32>
      %abs3A = math.absf %get3A_59 : vector<16xf32>
      %mul3A_69 = arith.mulf %abs3A, %get3A_63 : vector<16xf32>
      %ge3A = arith.cmpf oge, %mul3A_69, %get3A_5 : vector<16xf32>
      %convert_element_type3A = arith.extui %ge3A : vector<16xi1> to vector<16xi32>
      %broadcast_in_dim3A_70 = arith.constant true
      %broadcast_in_dim3A_71 = vector.broadcast %broadcast_in_dim3A_70 : i1 to vector<16xi1>
      %masked_cumsum3A = tpu.scan <sum>, %convert_element_type3A masked %broadcast_in_dim3A_71 : vector<16xi32>, vector<16xi1> -> vector<16xi32>
      %sub3A_72 = arith.constant 1 : i32
      %sub3A_73 = vector.broadcast %sub3A_72 : i32 to vector<16xi32>
      %sub3A_74 = arith.subi %masked_cumsum3A, %sub3A_73 : vector<16xi32>
      %add3A_75 = vector.broadcast %scan3A_55 : i32 to vector<16xi32>
      %add3A_76 = arith.addi %sub3A_74, %add3A_75 : vector<16xi32>
      tpu.vector_store_idx %arg10[%add3A_76], %add3A_68 masked %ge3A : memref<144xi32, #tpu.memory_space<vmem>>[vector<16xi32>], vector<16xi32>, vector<16xi1>
      tpu.vector_store_idx %arg11[%add3A_76], %get3A_59 masked %ge3A : memref<144xf32, #tpu.memory_space<vmem>>[vector<16xi32>], vector<16xf32>, vector<16xi1>
      %reduce_sum3A = arith.constant true
      %reduce_sum3A_77 = vector.broadcast %reduce_sum3A : i1 to vector<16xi1>
      %reduce_sum3A_78 = tpu.scan <sum>, %convert_element_type3A masked %reduce_sum3A_77 : vector<16xi32>, vector<16xi1> -> vector<16xi32>
      %reduce_sum3A_79 = vector.extract %reduce_sum3A_78[15] : i32 from vector<16xi32>
      %add3A_80 = arith.addi %scan3A_55, %reduce_sum3A_79 : i32
      scf.yield %add3A_80 : i32
    }
    %scan3A_11 = arith.constant 8 : i32
    %add3A_12 = vector.broadcast %scan3A_10 : i32 to vector<16xi32>
    %add3A_13 = arith.addi %add3A_12, %iota3A : vector<16xi32>
    %lt3A = arith.constant 144 : i32
    %lt3A_14 = vector.broadcast %lt3A : i32 to vector<16xi32>
    %lt3A_15 = arith.cmpi slt, %add3A_13, %lt3A_14 : vector<16xi32>
    %broadcast_in_dim3A = arith.constant 6912 : i32
    %broadcast_in_dim3A_16 = vector.broadcast %broadcast_in_dim3A : i32 to vector<16xi32>
    tpu.vector_store_idx %arg10[%add3A_13], %broadcast_in_dim3A_16 masked %lt3A_15 : memref<144xi32, #tpu.memory_space<vmem>>[vector<16xi32>], vector<16xi32>, vector<16xi1>
    %broadcast_in_dim3A_17 = arith.constant 0.000000e+00 : f32
    %broadcast_in_dim3A_18 = vector.broadcast %broadcast_in_dim3A_17 : f32 to vector<16xf32>
    tpu.vector_store_idx %arg11[%add3A_13], %broadcast_in_dim3A_18 masked %lt3A_15 : memref<144xf32, #tpu.memory_space<vmem>>[vector<16xi32>], vector<16xf32>, vector<16xi1>
    %max3A = arith.constant 1 : i32
    %max3A_19 = arith.maxsi %scan3A_10, %max3A : i32
    %add3A_20 = arith.constant 15 : i32
    %add3A_21 = arith.addi %max3A_19, %add3A_20 : i32
    %jit3A = arith.constant 16 : i32
    %div3A = arith.divsi %add3A_21, %jit3A : i32
    %sign3A = arith.constant 0 : i32
    %sign3A_22 = arith.cmpi sgt, %add3A_21, %sign3A : i32
    %sign3A_23 = arith.extui %sign3A_22 : i1 to i32
    %sign3A_24 = arith.constant 0 : i32
    %sign3A_25 = arith.cmpi slt, %add3A_21, %sign3A_24 : i32
    %sign3A_26 = arith.extui %sign3A_25 : i1 to i32
    %sign3A_27 = arith.subi %sign3A_23, %sign3A_26 : i32
    %sign3A_28 = arith.constant 0 : i32
    %sign3A_29 = arith.cmpi sgt, %jit3A, %sign3A_28 : i32
    %sign3A_30 = arith.extui %sign3A_29 : i1 to i32
    %sign3A_31 = arith.constant 0 : i32
    %sign3A_32 = arith.cmpi slt, %jit3A, %sign3A_31 : i32
    %sign3A_33 = arith.extui %sign3A_32 : i1 to i32
    %sign3A_34 = arith.subi %sign3A_30, %sign3A_33 : i32
    %ne3A = arith.cmpi ne, %sign3A_27, %sign3A_34 : i32
    %rem3A = arith.remsi %add3A_21, %jit3A : i32
    %ne3A_35 = arith.constant 0 : i32
    %ne3A_36 = arith.cmpi ne, %rem3A, %ne3A_35 : i32
    %and3A = arith.andi %ne3A, %ne3A_36 : i1
    %sub3A = arith.constant 1 : i32
    %sub3A_37 = arith.subi %div3A, %sub3A : i32
    %select_n3A = arith.select %and3A, %sub3A_37, %div3A : i32
    %broadcast_in_dim3A_38 = arith.constant 0.000000e+00 : f32
    %broadcast_in_dim3A_39 = vector.broadcast %broadcast_in_dim3A_38 : f32 to vector<16xf32>
    %scan3A_40 = arith.constant 0 : i32
    %scan3A_41 = arith.constant 256 : i32
    %scan3A_42 = arith.addi %scan3A_40, %scan3A_41 : i32
    %scan3A_43 = arith.constant 1 : i32
    scf.for %scan3A_54 = %scan3A_40 to %scan3A_42 step %scan3A_43  : i32 {
      %mul3A_55 = arith.constant 1 : i32
      %mul3A_56 = arith.muli %scan3A_54, %mul3A_55 : i32
      %add3A_57 = arith.constant 0 : i32
      %add3A_58 = arith.addi %add3A_57, %mul3A_56 : i32
      %mul3A_59 = arith.constant 16 : i32
      %mul3A_60 = arith.muli %add3A_58, %mul3A_59 : i32
      %swap3A = arith.index_cast %mul3A_60 : i32 to index
      %swap3A_61 = tpu.vector_load %arg12[%swap3A] {strides = array<i32>} : memref<4096xf32, #tpu.memory_space<vmem>>, vector<16xf32>,
      tpu.vector_store %arg12[%swap3A], %broadcast_in_dim3A_39 {strides = array<i32>} : memref<4096xf32, #tpu.memory_space<vmem>>, vector<16xf32>,
    }
    %scan3A_44 = arith.constant 256 : i32
    %while3A = arith.constant 0 : i32
    %while3A_45 = arith.constant 0 : i32
    %while3A_46 = arith.subi %select_n3A, %while3A_45 : i32
    %while3A_47 = arith.addi %while3A_45, %while3A_46 : i32
    %while3A_48 = arith.constant 1 : i32
    %while3A_49 = arith.divsi %while3A_46, %while3A_48 : i32
    %while3A_50 = arith.muli %while3A_49, %while3A_48 : i32
    %while3A_51 = arith.addi %while3A_45, %while3A_50 : i32
    %while3A_52 = arith.constant 1 : i32
    scf.for %while3A_54 = %while3A_45 to %while3A_51 step %while3A_52  : i32 {
      %mul3A_55 = arith.constant 2 : i32
      %mul3A_56 = arith.muli %mul3A_55, %while3A_54 : i32
      %mul3A_57 = arith.constant 8 : i32
      %mul3A_58 = arith.muli %mul3A_56, %mul3A_57 : i32
      %dma_start3A = tpu.memref_slice %arg10[%mul3A_58] : memref<144xi32, #tpu.memory_space<vmem>> -> memref<8xi32, #tpu.memory_space<vmem>>
      %dma_start3A_59 = arith.constant 0 : i32
      %dma_start3A_60 = arith.constant 0 : i32
      %dma_start3A_61 = tpu.memref_slice %arg5[%dma_start3A_59, %dma_start3A_60] : memref<11008x4096xf32, #tpu.memory_space<hbm>> -> memref<11008x4096xf32, #tpu.memory_space<hbm>>
      tpu.enqueue_indirect_dma source(%dma_start3A_61 : memref<11008x4096xf32, #tpu.memory_space<hbm>>) target(%arg13 : memref<8x4096xf32, #tpu.memory_space<vmem>>) offsets(%dma_start3A : memref<8xi32, #tpu.memory_space<vmem>>) semaphore(%arg15 : memref<!tpu.dma_semaphore, #tpu.memory_space<semaphore_mem>>)
      %dma_wait3A = tpu.memref_slice %arg10[%mul3A_58] : memref<144xi32, #tpu.memory_space<vmem>> -> memref<8xi32, #tpu.memory_space<vmem>>
      %dma_wait3A_62 = arith.constant 0 : i32
      %dma_wait3A_63 = arith.constant 0 : i32
      %dma_wait3A_64 = tpu.memref_slice %arg5[%dma_wait3A_62, %dma_wait3A_63] : memref<11008x4096xf32, #tpu.memory_space<hbm>> -> memref<11008x4096xf32, #tpu.memory_space<hbm>>
      tpu.wait_indirect_dma semaphore(%arg15 : memref<!tpu.dma_semaphore, #tpu.memory_space<semaphore_mem>>) src(%dma_wait3A_64 : memref<11008x4096xf32, #tpu.memory_space<hbm>>) dst(%arg13 : memref<8x4096xf32, #tpu.memory_space<vmem>>)
      %mul3A_65 = arith.constant 8 : i32
      %mul3A_66 = arith.muli %mul3A_56, %mul3A_65 : i32
      %get3A_67 = arith.index_cast %mul3A_66 : i32 to index
      %get3A_68 = tpu.vector_load %arg11[%get3A_67] {strides = array<i32>} : memref<144xf32, #tpu.memory_space<vmem>>, vector<16xf32>,
      %eq3A = arith.constant 0 : i32
      %eq3A_69 = vector.broadcast %eq3A : i32 to vector<16xi32>
      %eq3A_70 = arith.cmpi eq, %iota3A, %eq3A_69 : vector<16xi32>
      %jit3A_71 = arith.constant 0.000000e+00 : f32
      %broadcast_in_dim3A_72 = vector.broadcast %jit3A_71 : f32 to vector<16xf32>
      %select_n3A_73 = arith.select %eq3A_70, %get3A_68, %broadcast_in_dim3A_72 : vector<16xi1>, vector<16xf32>
      %reduce_sum3A = arith.constant true
      %reduce_sum3A_74 = vector.broadcast %reduce_sum3A : i1 to vector<16xi1>
      %reduce_sum3A_75 = tpu.scan <sum>, %select_n3A_73 masked %reduce_sum3A_74 : vector<16xf32>, vector<16xi1> -> vector<16xf32>
      %reduce_sum3A_76 = vector.extract %reduce_sum3A_75[15] : f32 from vector<16xf32>
      %eq3A_77 = arith.constant 1 : i32
      %eq3A_78 = vector.broadcast %eq3A_77 : i32 to vector<16xi32>
      %eq3A_79 = arith.cmpi eq, %iota3A, %eq3A_78 : vector<16xi32>
      %jit3A_80 = arith.constant 0.000000e+00 : f32
      %broadcast_in_dim3A_81 = vector.broadcast %jit3A_80 : f32 to vector<16xf32>
      %select_n3A_82 = arith.select %eq3A_79, %get3A_68, %broadcast_in_dim3A_81 : vector<16xi1>, vector<16xf32>
      %reduce_sum3A_83 = arith.constant true
      %reduce_sum3A_84 = vector.broadcast %reduce_sum3A_83 : i1 to vector<16xi1>
      %reduce_sum3A_85 = tpu.scan <sum>, %select_n3A_82 masked %reduce_sum3A_84 : vector<16xf32>, vector<16xi1> -> vector<16xf32>
      %reduce_sum3A_86 = vector.extract %reduce_sum3A_85[15] : f32 from vector<16xf32>
      %eq3A_87 = arith.constant 2 : i32
      %eq3A_88 = vector.broadcast %eq3A_87 : i32 to vector<16xi32>
      %eq3A_89 = arith.cmpi eq, %iota3A, %eq3A_88 : vector<16xi32>
      %jit3A_90 = arith.constant 0.000000e+00 : f32
      %broadcast_in_dim3A_91 = vector.broadcast %jit3A_90 : f32 to vector<16xf32>
      %select_n3A_92 = arith.select %eq3A_89, %get3A_68, %broadcast_in_dim3A_91 : vector<16xi1>, vector<16xf32>
      %reduce_sum3A_93 = arith.constant true
      %reduce_sum3A_94 = vector.broadcast %reduce_sum3A_93 : i1 to vector<16xi1>
      %reduce_sum3A_95 = tpu.scan <sum>, %select_n3A_92 masked %reduce_sum3A_94 : vector<16xf32>, vector<16xi1> -> vector<16xf32>
      %reduce_sum3A_96 = vector.extract %reduce_sum3A_95[15] : f32 from vector<16xf32>
      %eq3A_97 = arith.constant 3 : i32
      %eq3A_98 = vector.broadcast %eq3A_97 : i32 to vector<16xi32>
      %eq3A_99 = arith.cmpi eq, %iota3A, %eq3A_98 : vector<16xi32>
      %jit3A_100 = arith.constant 0.000000e+00 : f32
      %broadcast_in_dim3A_101 = vector.broadcast %jit3A_100 : f32 to vector<16xf32>
      %select_n3A_102 = arith.select %eq3A_99, %get3A_68, %broadcast_in_dim3A_101 : vector<16xi1>, vector<16xf32>
      %reduce_sum3A_103 = arith.constant true
      %reduce_sum3A_104 = vector.broadcast %reduce_sum3A_103 : i1 to vector<16xi1>
      %reduce_sum3A_105 = tpu.scan <sum>, %select_n3A_102 masked %reduce_sum3A_104 : vector<16xf32>, vector<16xi1> -> vector<16xf32>
      %reduce_sum3A_106 = vector.extract %reduce_sum3A_105[15] : f32 from vector<16xf32>
      %eq3A_107 = arith.constant 4 : i32
      %eq3A_108 = vector.broadcast %eq3A_107 : i32 to vector<16xi32>
      %eq3A_109 = arith.cmpi eq, %iota3A, %eq3A_108 : vector<16xi32>
      %jit3A_110 = arith.constant 0.000000e+00 : f32
      %broadcast_in_dim3A_111 = vector.broadcast %jit3A_110 : f32 to vector<16xf32>
      %select_n3A_112 = arith.select %eq3A_109, %get3A_68, %broadcast_in_dim3A_111 : vector<16xi1>, vector<16xf32>
      %reduce_sum3A_113 = arith.constant true
      %reduce_sum3A_114 = vector.broadcast %reduce_sum3A_113 : i1 to vector<16xi1>
      %reduce_sum3A_115 = tpu.scan <sum>, %select_n3A_112 masked %reduce_sum3A_114 : vector<16xf32>, vector<16xi1> -> vector<16xf32>
      %reduce_sum3A_116 = vector.extract %reduce_sum3A_115[15] : f32 from vector<16xf32>
      %eq3A_117 = arith.constant 5 : i32
      %eq3A_118 = vector.broadcast %eq3A_117 : i32 to vector<16xi32>
      %eq3A_119 = arith.cmpi eq, %iota3A, %eq3A_118 : vector<16xi32>
      %jit3A_120 = arith.constant 0.000000e+00 : f32
      %broadcast_in_dim3A_121 = vector.broadcast %jit3A_120 : f32 to vector<16xf32>
      %select_n3A_122 = arith.select %eq3A_119, %get3A_68, %broadcast_in_dim3A_121 : vector<16xi1>, vector<16xf32>
      %reduce_sum3A_123 = arith.constant true
      %reduce_sum3A_124 = vector.broadcast %reduce_sum3A_123 : i1 to vector<16xi1>
      %reduce_sum3A_125 = tpu.scan <sum>, %select_n3A_122 masked %reduce_sum3A_124 : vector<16xf32>, vector<16xi1> -> vector<16xf32>
      %reduce_sum3A_126 = vector.extract %reduce_sum3A_125[15] : f32 from vector<16xf32>
      %eq3A_127 = arith.constant 6 : i32
      %eq3A_128 = vector.broadcast %eq3A_127 : i32 to vector<16xi32>
      %eq3A_129 = arith.cmpi eq, %iota3A, %eq3A_128 : vector<16xi32>
      %jit3A_130 = arith.constant 0.000000e+00 : f32
      %broadcast_in_dim3A_131 = vector.broadcast %jit3A_130 : f32 to vector<16xf32>
      %select_n3A_132 = arith.select %eq3A_129, %get3A_68, %broadcast_in_dim3A_131 : vector<16xi1>, vector<16xf32>
      %reduce_sum3A_133 = arith.constant true
      %reduce_sum3A_134 = vector.broadcast %reduce_sum3A_133 : i1 to vector<16xi1>
      %reduce_sum3A_135 = tpu.scan <sum>, %select_n3A_132 masked %reduce_sum3A_134 : vector<16xf32>, vector<16xi1> -> vector<16xf32>
      %reduce_sum3A_136 = vector.extract %reduce_sum3A_135[15] : f32 from vector<16xf32>
      %eq3A_137 = arith.constant 7 : i32
      %eq3A_138 = vector.broadcast %eq3A_137 : i32 to vector<16xi32>
      %eq3A_139 = arith.cmpi eq, %iota3A, %eq3A_138 : vector<16xi32>
      %jit3A_140 = arith.constant 0.000000e+00 : f32
      %broadcast_in_dim3A_141 = vector.broadcast %jit3A_140 : f32 to vector<16xf32>
      %select_n3A_142 = arith.select %eq3A_139, %get3A_68, %broadcast_in_dim3A_141 : vector<16xi1>, vector<16xf32>
      %reduce_sum3A_143 = arith.constant true
      %reduce_sum3A_144 = vector.broadcast %reduce_sum3A_143 : i1 to vector<16xi1>
      %reduce_sum3A_145 = tpu.scan <sum>, %select_n3A_142 masked %reduce_sum3A_144 : vector<16xf32>, vector<16xi1> -> vector<16xf32>
      %reduce_sum3A_146 = vector.extract %reduce_sum3A_145[15] : f32 from vector<16xf32>
      %scan3A_147 = arith.constant 0 : i32
      %scan3A_148 = arith.constant 64 : i32
      %scan3A_149 = arith.addi %scan3A_147, %scan3A_148 : i32
      %scan3A_150 = arith.constant 1 : i32
      scf.for %scan3A_255 = %scan3A_147 to %scan3A_149 step %scan3A_150  : i32 {
        %mul3A_256 = arith.constant 4 : i32
        %mul3A_257 = arith.muli %scan3A_255, %mul3A_256 : i32
        %add3A_258 = arith.constant 0 : i32
        %add3A_259 = arith.addi %add3A_258, %mul3A_257 : i32
        %add3A_260 = arith.constant 0 : i32
        %add3A_261 = arith.addi %add3A_259, %add3A_260 : i32
        %mul3A_262 = arith.constant 16 : i32
        %mul3A_263 = arith.muli %add3A_261, %mul3A_262 : i32
        %get3A_264 = arith.constant 0 : i32
        %get3A_265 = arith.index_cast %get3A_264 : i32 to index
        %get3A_266 = arith.index_cast %mul3A_263 : i32 to index
        %get3A_267 = tpu.vector_load %arg13[%get3A_265, %get3A_266] {strides = array<i32>} : memref<8x4096xf32, #tpu.memory_space<vmem>>, vector<16xf32>,
        %mul3A_268 = vector.broadcast %reduce_sum3A_76 : f32 to vector<16xf32>
        %mul3A_269 = arith.mulf %mul3A_268, %get3A_267 : vector<16xf32>
        %get3A_270 = arith.constant 1 : i32
        %get3A_271 = arith.index_cast %get3A_270 : i32 to index
        %get3A_272 = arith.index_cast %mul3A_263 : i32 to index
        %get3A_273 = tpu.vector_load %arg13[%get3A_271, %get3A_272] {strides = array<i32>} : memref<8x4096xf32, #tpu.memory_space<vmem>>, vector<16xf32>,
        %mul3A_274 = vector.broadcast %reduce_sum3A_86 : f32 to vector<16xf32>
        %mul3A_275 = arith.mulf %mul3A_274, %get3A_273 : vector<16xf32>
        %get3A_276 = arith.constant 2 : i32
        %get3A_277 = arith.index_cast %get3A_276 : i32 to index
        %get3A_278 = arith.index_cast %mul3A_263 : i32 to index
        %get3A_279 = tpu.vector_load %arg13[%get3A_277, %get3A_278] {strides = array<i32>} : memref<8x4096xf32, #tpu.memory_space<vmem>>, vector<16xf32>,
        %mul3A_280 = vector.broadcast %reduce_sum3A_96 : f32 to vector<16xf32>
        %mul3A_281 = arith.mulf %mul3A_280, %get3A_279 : vector<16xf32>
        %get3A_282 = arith.constant 3 : i32
        %get3A_283 = arith.index_cast %get3A_282 : i32 to index
        %get3A_284 = arith.index_cast %mul3A_263 : i32 to index
        %get3A_285 = tpu.vector_load %arg13[%get3A_283, %get3A_284] {strides = array<i32>} : memref<8x4096xf32, #tpu.memory_space<vmem>>, vector<16xf32>,
        %mul3A_286 = vector.broadcast %reduce_sum3A_106 : f32 to vector<16xf32>
        %mul3A_287 = arith.mulf %mul3A_286, %get3A_285 : vector<16xf32>
        %get3A_288 = arith.constant 4 : i32
        %get3A_289 = arith.index_cast %get3A_288 : i32 to index
        %get3A_290 = arith.index_cast %mul3A_263 : i32 to index
        %get3A_291 = tpu.vector_load %arg13[%get3A_289, %get3A_290] {strides = array<i32>} : memref<8x4096xf32, #tpu.memory_space<vmem>>, vector<16xf32>,
        %mul3A_292 = vector.broadcast %reduce_sum3A_116 : f32 to vector<16xf32>
        %mul3A_293 = arith.mulf %mul3A_292, %get3A_291 : vector<16xf32>
        %get3A_294 = arith.constant 5 : i32
        %get3A_295 = arith.index_cast %get3A_294 : i32 to index
        %get3A_296 = arith.index_cast %mul3A_263 : i32 to index
        %get3A_297 = tpu.vector_load %arg13[%get3A_295, %get3A_296] {strides = array<i32>} : memref<8x4096xf32, #tpu.memory_space<vmem>>, vector<16xf32>,
        %mul3A_298 = vector.broadcast %reduce_sum3A_126 : f32 to vector<16xf32>
        %mul3A_299 = arith.mulf %mul3A_298, %get3A_297 : vector<16xf32>
        %get3A_300 = arith.constant 6 : i32
        %get3A_301 = arith.index_cast %get3A_300 : i32 to index
        %get3A_302 = arith.index_cast %mul3A_263 : i32 to index
        %get3A_303 = tpu.vector_load %arg13[%get3A_301, %get3A_302] {strides = array<i32>} : memref<8x4096xf32, #tpu.memory_space<vmem>>, vector<16xf32>,
        %mul3A_304 = vector.broadcast %reduce_sum3A_136 : f32 to vector<16xf32>
        %mul3A_305 = arith.mulf %mul3A_304, %get3A_303 : vector<16xf32>
        %get3A_306 = arith.constant 7 : i32
        %get3A_307 = arith.index_cast %get3A_306 : i32 to index
        %get3A_308 = arith.index_cast %mul3A_263 : i32 to index
        %get3A_309 = tpu.vector_load %arg13[%get3A_307, %get3A_308] {strides = array<i32>} : memref<8x4096xf32, #tpu.memory_space<vmem>>, vector<16xf32>,
        %mul3A_310 = vector.broadcast %reduce_sum3A_146 : f32 to vector<16xf32>
        %mul3A_311 = arith.mulf %mul3A_310, %get3A_309 : vector<16xf32>
        %add3A_312 = arith.addf %mul3A_269, %mul3A_275 : vector<16xf32>
        %add3A_313 = arith.addf %mul3A_281, %mul3A_287 : vector<16xf32>
        %add3A_314 = arith.addf %mul3A_293, %mul3A_299 : vector<16xf32>
        %add3A_315 = arith.addf %mul3A_305, %mul3A_311 : vector<16xf32>
        %add3A_316 = arith.addf %add3A_312, %add3A_313 : vector<16xf32>
        %add3A_317 = arith.addf %add3A_314, %add3A_315 : vector<16xf32>
        %add3A_318 = arith.addf %add3A_316, %add3A_317 : vector<16xf32>
        %get3A_319 = arith.index_cast %mul3A_263 : i32 to index
        %get3A_320 = tpu.vector_load %arg12[%get3A_319] {strides = array<i32>} : memref<4096xf32, #tpu.memory_space<vmem>>, vector<16xf32>,
        %add3A_321 = arith.addf %get3A_320, %add3A_318 : vector<16xf32>
        %swap3A = arith.index_cast %mul3A_263 : i32 to index
        %swap3A_322 = tpu.vector_load %arg12[%swap3A] {strides = array<i32>} : memref<4096xf32, #tpu.memory_space<vmem>>, vector<16xf32>,
        tpu.vector_store %arg12[%swap3A], %add3A_321 {strides = array<i32>} : memref<4096xf32, #tpu.memory_space<vmem>>, vector<16xf32>,
        %add3A_323 = arith.constant 1 : i32
        %add3A_324 = arith.addi %add3A_259, %add3A_323 : i32
        %mul3A_325 = arith.constant 16 : i32
        %mul3A_326 = arith.muli %add3A_324, %mul3A_325 : i32
        %get3A_327 = arith.constant 0 : i32
        %get3A_328 = arith.index_cast %get3A_327 : i32 to index
        %get3A_329 = arith.index_cast %mul3A_326 : i32 to index
        %get3A_330 = tpu.vector_load %arg13[%get3A_328, %get3A_329] {strides = array<i32>} : memref<8x4096xf32, #tpu.memory_space<vmem>>, vector<16xf32>,
        %mul3A_331 = vector.broadcast %reduce_sum3A_76 : f32 to vector<16xf32>
        %mul3A_332 = arith.mulf %mul3A_331, %get3A_330 : vector<16xf32>
        %get3A_333 = arith.constant 1 : i32
        %get3A_334 = arith.index_cast %get3A_333 : i32 to index
        %get3A_335 = arith.index_cast %mul3A_326 : i32 to index
        %get3A_336 = tpu.vector_load %arg13[%get3A_334, %get3A_335] {strides = array<i32>} : memref<8x4096xf32, #tpu.memory_space<vmem>>, vector<16xf32>,
        %mul3A_337 = vector.broadcast %reduce_sum3A_86 : f32 to vector<16xf32>
        %mul3A_338 = arith.mulf %mul3A_337, %get3A_336 : vector<16xf32>
        %get3A_339 = arith.constant 2 : i32
        %get3A_340 = arith.index_cast %get3A_339 : i32 to index
        %get3A_341 = arith.index_cast %mul3A_326 : i32 to index
        %get3A_342 = tpu.vector_load %arg13[%get3A_340, %get3A_341] {strides = array<i32>} : memref<8x4096xf32, #tpu.memory_space<vmem>>, vector<16xf32>,
        %mul3A_343 = vector.broadcast %reduce_sum3A_96 : f32 to vector<16xf32>
        %mul3A_344 = arith.mulf %mul3A_343, %get3A_342 : vector<16xf32>
        %get3A_345 = arith.constant 3 : i32
        %get3A_346 = arith.index_cast %get3A_345 : i32 to index
        %get3A_347 = arith.index_cast %mul3A_326 : i32 to index
        %get3A_348 = tpu.vector_load %arg13[%get3A_346, %get3A_347] {strides = array<i32>} : memref<8x4096xf32, #tpu.memory_space<vmem>>, vector<16xf32>,
        %mul3A_349 = vector.broadcast %reduce_sum3A_106 : f32 to vector<16xf32>
        %mul3A_350 = arith.mulf %mul3A_349, %get3A_348 : vector<16xf32>
        %get3A_351 = arith.constant 4 : i32
        %get3A_352 = arith.index_cast %get3A_351 : i32 to index
        %get3A_353 = arith.index_cast %mul3A_326 : i32 to index
        %get3A_354 = tpu.vector_load %arg13[%get3A_352, %get3A_353] {strides = array<i32>} : memref<8x4096xf32, #tpu.memory_space<vmem>>, vector<16xf32>,
        %mul3A_355 = vector.broadcast %reduce_sum3A_116 : f32 to vector<16xf32>
        %mul3A_356 = arith.mulf %mul3A_355, %get3A_354 : vector<16xf32>
        %get3A_357 = arith.constant 5 : i32
        %get3A_358 = arith.index_cast %get3A_357 : i32 to index
        %get3A_359 = arith.index_cast %mul3A_326 : i32 to index
        %get3A_360 = tpu.vector_load %arg13[%get3A_358, %get3A_359] {strides = array<i32>} : memref<8x4096xf32, #tpu.memory_space<vmem>>, vector<16xf32>,
        %mul3A_361 = vector.broadcast %reduce_sum3A_126 : f32 to vector<16xf32>
        %mul3A_362 = arith.mulf %mul3A_361, %get3A_360 : vector<16xf32>
        %get3A_363 = arith.constant 6 : i32
        %get3A_364 = arith.index_cast %get3A_363 : i32 to index
        %get3A_365 = arith.index_cast %mul3A_326 : i32 to index
        %get3A_366 = tpu.vector_load %arg13[%get3A_364, %get3A_365] {strides = array<i32>} : memref<8x4096xf32, #tpu.memory_space<vmem>>, vector<16xf32>,
        %mul3A_367 = vector.broadcast %reduce_sum3A_136 : f32 to vector<16xf32>
        %mul3A_368 = arith.mulf %mul3A_367, %get3A_366 : vector<16xf32>
        %get3A_369 = arith.constant 7 : i32
        %get3A_370 = arith.index_cast %get3A_369 : i32 to index
        %get3A_371 = arith.index_cast %mul3A_326 : i32 to index
        %get3A_372 = tpu.vector_load %arg13[%get3A_370, %get3A_371] {strides = array<i32>} : memref<8x4096xf32, #tpu.memory_space<vmem>>, vector<16xf32>,
        %mul3A_373 = vector.broadcast %reduce_sum3A_146 : f32 to vector<16xf32>
        %mul3A_374 = arith.mulf %mul3A_373, %get3A_372 : vector<16xf32>
        %add3A_375 = arith.addf %mul3A_332, %mul3A_338 : vector<16xf32>
        %add3A_376 = arith.addf %mul3A_344, %mul3A_350 : vector<16xf32>
        %add3A_377 = arith.addf %mul3A_356, %mul3A_362 : vector<16xf32>
        %add3A_378 = arith.addf %mul3A_368, %mul3A_374 : vector<16xf32>
        %add3A_379 = arith.addf %add3A_375, %add3A_376 : vector<16xf32>
        %add3A_380 = arith.addf %add3A_377, %add3A_378 : vector<16xf32>
        %add3A_381 = arith.addf %add3A_379, %add3A_380 : vector<16xf32>
        %get3A_382 = arith.index_cast %mul3A_326 : i32 to index
        %get3A_383 = tpu.vector_load %arg12[%get3A_382] {strides = array<i32>} : memref<4096xf32, #tpu.memory_space<vmem>>, vector<16xf32>,
        %add3A_384 = arith.addf %get3A_383, %add3A_381 : vector<16xf32>
        %swap3A_385 = arith.index_cast %mul3A_326 : i32 to index
        %swap3A_386 = tpu.vector_load %arg12[%swap3A_385] {strides = array<i32>} : memref<4096xf32, #tpu.memory_space<vmem>>, vector<16xf32>,
        tpu.vector_store %arg12[%swap3A_385], %add3A_384 {strides = array<i32>} : memref<4096xf32, #tpu.memory_space<vmem>>, vector<16xf32>,
        %add3A_387 = arith.constant 2 : i32
        %add3A_388 = arith.addi %add3A_259, %add3A_387 : i32
        %mul3A_389 = arith.constant 16 : i32
        %mul3A_390 = arith.muli %add3A_388, %mul3A_389 : i32
        %get3A_391 = arith.constant 0 : i32
        %get3A_392 = arith.index_cast %get3A_391 : i32 to index
        %get3A_393 = arith.index_cast %mul3A_390 : i32 to index
        %get3A_394 = tpu.vector_load %arg13[%get3A_392, %get3A_393] {strides = array<i32>} : memref<8x4096xf32, #tpu.memory_space<vmem>>, vector<16xf32>,
        %mul3A_395 = vector.broadcast %reduce_sum3A_76 : f32 to vector<16xf32>
        %mul3A_396 = arith.mulf %mul3A_395, %get3A_394 : vector<16xf32>
        %get3A_397 = arith.constant 1 : i32
        %get3A_398 = arith.index_cast %get3A_397 : i32 to index
        %get3A_399 = arith.index_cast %mul3A_390 : i32 to index
        %get3A_400 = tpu.vector_load %arg13[%get3A_398, %get3A_399] {strides = array<i32>} : memref<8x4096xf32, #tpu.memory_space<vmem>>, vector<16xf32>,
        %mul3A_401 = vector.broadcast %reduce_sum3A_86 : f32 to vector<16xf32>
        %mul3A_402 = arith.mulf %mul3A_401, %get3A_400 : vector<16xf32>
        %get3A_403 = arith.constant 2 : i32
        %get3A_404 = arith.index_cast %get3A_403 : i32 to index
        %get3A_405 = arith.index_cast %mul3A_390 : i32 to index
        %get3A_406 = tpu.vector_load %arg13[%get3A_404, %get3A_405] {strides = array<i32>} : memref<8x4096xf32, #tpu.memory_space<vmem>>, vector<16xf32>,
        %mul3A_407 = vector.broadcast %reduce_sum3A_96 : f32 to vector<16xf32>
        %mul3A_408 = arith.mulf %mul3A_407, %get3A_406 : vector<16xf32>
        %get3A_409 = arith.constant 3 : i32
        %get3A_410 = arith.index_cast %get3A_409 : i32 to index
        %get3A_411 = arith.index_cast %mul3A_390 : i32 to index
        %get3A_412 = tpu.vector_load %arg13[%get3A_410, %get3A_411] {strides = array<i32>} : memref<8x4096xf32, #tpu.memory_space<vmem>>, vector<16xf32>,
        %mul3A_413 = vector.broadcast %reduce_sum3A_106 : f32 to vector<16xf32>
        %mul3A_414 = arith.mulf %mul3A_413, %get3A_412 : vector<16xf32>
        %get3A_415 = arith.constant 4 : i32
        %get3A_416 = arith.index_cast %get3A_415 : i32 to index
        %get3A_417 = arith.index_cast %mul3A_390 : i32 to index
        %get3A_418 = tpu.vector_load %arg13[%get3A_416, %get3A_417] {strides = array<i32>} : memref<8x4096xf32, #tpu.memory_space<vmem>>, vector<16xf32>,
        %mul3A_419 = vector.broadcast %reduce_sum3A_116 : f32 to vector<16xf32>
        %mul3A_420 = arith.mulf %mul3A_419, %get3A_418 : vector<16xf32>
        %get3A_421 = arith.constant 5 : i32
        %get3A_422 = arith.index_cast %get3A_421 : i32 to index
        %get3A_423 = arith.index_cast %mul3A_390 : i32 to index
        %get3A_424 = tpu.vector_load %arg13[%get3A_422, %get3A_423] {strides = array<i32>} : memref<8x4096xf32, #tpu.memory_space<vmem>>, vector<16xf32>,
        %mul3A_425 = vector.broadcast %reduce_sum3A_126 : f32 to vector<16xf32>
        %mul3A_426 = arith.mulf %mul3A_425, %get3A_424 : vector<16xf32>
        %get3A_427 = arith.constant 6 : i32
        %get3A_428 = arith.index_cast %get3A_427 : i32 to index
        %get3A_429 = arith.index_cast %mul3A_390 : i32 to index
        %get3A_430 = tpu.vector_load %arg13[%get3A_428, %get3A_429] {strides = array<i32>} : memref<8x4096xf32, #tpu.memory_space<vmem>>, vector<16xf32>,
        %mul3A_431 = vector.broadcast %reduce_sum3A_136 : f32 to vector<16xf32>
        %mul3A_432 = arith.mulf %mul3A_431, %get3A_430 : vector<16xf32>
        %get3A_433 = arith.constant 7 : i32
        %get3A_434 = arith.index_cast %get3A_433 : i32 to index
        %get3A_435 = arith.index_cast %mul3A_390 : i32 to index
        %get3A_436 = tpu.vector_load %arg13[%get3A_434, %get3A_435] {strides = array<i32>} : memref<8x4096xf32, #tpu.memory_space<vmem>>, vector<16xf32>,
        %mul3A_437 = vector.broadcast %reduce_sum3A_146 : f32 to vector<16xf32>
        %mul3A_438 = arith.mulf %mul3A_437, %get3A_436 : vector<16xf32>
        %add3A_439 = arith.addf %mul3A_396, %mul3A_402 : vector<16xf32>
        %add3A_440 = arith.addf %mul3A_408, %mul3A_414 : vector<16xf32>
        %add3A_441 = arith.addf %mul3A_420, %mul3A_426 : vector<16xf32>
        %add3A_442 = arith.addf %mul3A_432, %mul3A_438 : vector<16xf32>
        %add3A_443 = arith.addf %add3A_439, %add3A_440 : vector<16xf32>
        %add3A_444 = arith.addf %add3A_441, %add3A_442 : vector<16xf32>
        %add3A_445 = arith.addf %add3A_443, %add3A_444 : vector<16xf32>
        %get3A_446 = arith.index_cast %mul3A_390 : i32 to index
        %get3A_447 = tpu.vector_load %arg12[%get3A_446] {strides = array<i32>} : memref<4096xf32, #tpu.memory_space<vmem>>, vector<16xf32>,
        %add3A_448 = arith.addf %get3A_447, %add3A_445 : vector<16xf32>
        %swap3A_449 = arith.index_cast %mul3A_390 : i32 to index
        %swap3A_450 = tpu.vector_load %arg12[%swap3A_449] {strides = array<i32>} : memref<4096xf32, #tpu.memory_space<vmem>>, vector<16xf32>,
        tpu.vector_store %arg12[%swap3A_449], %add3A_448 {strides = array<i32>} : memref<4096xf32, #tpu.memory_space<vmem>>, vector<16xf32>,
        %add3A_451 = arith.constant 3 : i32
        %add3A_452 = arith.addi %add3A_259, %add3A_451 : i32
        %mul3A_453 = arith.constant 16 : i32
        %mul3A_454 = arith.muli %add3A_452, %mul3A_453 : i32
        %get3A_455 = arith.constant 0 : i32
        %get3A_456 = arith.index_cast %get3A_455 : i32 to index
        %get3A_457 = arith.index_cast %mul3A_454 : i32 to index
        %get3A_458 = tpu.vector_load %arg13[%get3A_456, %get3A_457] {strides = array<i32>} : memref<8x4096xf32, #tpu.memory_space<vmem>>, vector<16xf32>,
        %mul3A_459 = vector.broadcast %reduce_sum3A_76 : f32 to vector<16xf32>
        %mul3A_460 = arith.mulf %mul3A_459, %get3A_458 : vector<16xf32>
        %get3A_461 = arith.constant 1 : i32
        %get3A_462 = arith.index_cast %get3A_461 : i32 to index
        %get3A_463 = arith.index_cast %mul3A_454 : i32 to index
        %get3A_464 = tpu.vector_load %arg13[%get3A_462, %get3A_463] {strides = array<i32>} : memref<8x4096xf32, #tpu.memory_space<vmem>>, vector<16xf32>,
        %mul3A_465 = vector.broadcast %reduce_sum3A_86 : f32 to vector<16xf32>
        %mul3A_466 = arith.mulf %mul3A_465, %get3A_464 : vector<16xf32>
        %get3A_467 = arith.constant 2 : i32
        %get3A_468 = arith.index_cast %get3A_467 : i32 to index
        %get3A_469 = arith.index_cast %mul3A_454 : i32 to index
        %get3A_470 = tpu.vector_load %arg13[%get3A_468, %get3A_469] {strides = array<i32>} : memref<8x4096xf32, #tpu.memory_space<vmem>>, vector<16xf32>,
        %mul3A_471 = vector.broadcast %reduce_sum3A_96 : f32 to vector<16xf32>
        %mul3A_472 = arith.mulf %mul3A_471, %get3A_470 : vector<16xf32>
        %get3A_473 = arith.constant 3 : i32
        %get3A_474 = arith.index_cast %get3A_473 : i32 to index
        %get3A_475 = arith.index_cast %mul3A_454 : i32 to index
        %get3A_476 = tpu.vector_load %arg13[%get3A_474, %get3A_475] {strides = array<i32>} : memref<8x4096xf32, #tpu.memory_space<vmem>>, vector<16xf32>,
        %mul3A_477 = vector.broadcast %reduce_sum3A_106 : f32 to vector<16xf32>
        %mul3A_478 = arith.mulf %mul3A_477, %get3A_476 : vector<16xf32>
        %get3A_479 = arith.constant 4 : i32
        %get3A_480 = arith.index_cast %get3A_479 : i32 to index
        %get3A_481 = arith.index_cast %mul3A_454 : i32 to index
        %get3A_482 = tpu.vector_load %arg13[%get3A_480, %get3A_481] {strides = array<i32>} : memref<8x4096xf32, #tpu.memory_space<vmem>>, vector<16xf32>,
        %mul3A_483 = vector.broadcast %reduce_sum3A_116 : f32 to vector<16xf32>
        %mul3A_484 = arith.mulf %mul3A_483, %get3A_482 : vector<16xf32>
        %get3A_485 = arith.constant 5 : i32
        %get3A_486 = arith.index_cast %get3A_485 : i32 to index
        %get3A_487 = arith.index_cast %mul3A_454 : i32 to index
        %get3A_488 = tpu.vector_load %arg13[%get3A_486, %get3A_487] {strides = array<i32>} : memref<8x4096xf32, #tpu.memory_space<vmem>>, vector<16xf32>,
        %mul3A_489 = vector.broadcast %reduce_sum3A_126 : f32 to vector<16xf32>
        %mul3A_490 = arith.mulf %mul3A_489, %get3A_488 : vector<16xf32>
        %get3A_491 = arith.constant 6 : i32
        %get3A_492 = arith.index_cast %get3A_491 : i32 to index
        %get3A_493 = arith.index_cast %mul3A_454 : i32 to index
        %get3A_494 = tpu.vector_load %arg13[%get3A_492, %get3A_493] {strides = array<i32>} : memref<8x4096xf32, #tpu.memory_space<vmem>>, vector<16xf32>,
        %mul3A_495 = vector.broadcast %reduce_sum3A_136 : f32 to vector<16xf32>
        %mul3A_496 = arith.mulf %mul3A_495, %get3A_494 : vector<16xf32>
        %get3A_497 = arith.constant 7 : i32
        %get3A_498 = arith.index_cast %get3A_497 : i32 to index
        %get3A_499 = arith.index_cast %mul3A_454 : i32 to index
        %get3A_500 = tpu.vector_load %arg13[%get3A_498, %get3A_499] {strides = array<i32>} : memref<8x4096xf32, #tpu.memory_space<vmem>>, vector<16xf32>,
        %mul3A_501 = vector.broadcast %reduce_sum3A_146 : f32 to vector<16xf32>
        %mul3A_502 = arith.mulf %mul3A_501, %get3A_500 : vector<16xf32>
        %add3A_503 = arith.addf %mul3A_460, %mul3A_466 : vector<16xf32>
        %add3A_504 = arith.addf %mul3A_472, %mul3A_478 : vector<16xf32>
        %add3A_505 = arith.addf %mul3A_484, %mul3A_490 : vector<16xf32>
        %add3A_506 = arith.addf %mul3A_496, %mul3A_502 : vector<16xf32>
        %add3A_507 = arith.addf %add3A_503, %add3A_504 : vector<16xf32>
        %add3A_508 = arith.addf %add3A_505, %add3A_506 : vector<16xf32>
        %add3A_509 = arith.addf %add3A_507, %add3A_508 : vector<16xf32>
        %get3A_510 = arith.index_cast %mul3A_454 : i32 to index
        %get3A_511 = tpu.vector_load %arg12[%get3A_510] {strides = array<i32>} : memref<4096xf32, #tpu.memory_space<vmem>>, vector<16xf32>,
        %add3A_512 = arith.addf %get3A_511, %add3A_509 : vector<16xf32>
        %swap3A_513 = arith.index_cast %mul3A_454 : i32 to index
        %swap3A_514 = tpu.vector_load %arg12[%swap3A_513] {strides = array<i32>} : memref<4096xf32, #tpu.memory_space<vmem>>, vector<16xf32>,
        tpu.vector_store %arg12[%swap3A_513], %add3A_512 {strides = array<i32>} : memref<4096xf32, #tpu.memory_space<vmem>>, vector<16xf32>,
      }
      %scan3A_151 = arith.constant 64 : i32
      %add3A_152 = arith.constant 1 : i32
      %add3A_153 = arith.addi %mul3A_56, %add3A_152 : i32
      %mul3A_154 = arith.constant 8 : i32
      %mul3A_155 = arith.muli %add3A_153, %mul3A_154 : i32
      %dma_start3A_156 = tpu.memref_slice %arg10[%mul3A_155] : memref<144xi32, #tpu.memory_space<vmem>> -> memref<8xi32, #tpu.memory_space<vmem>>
      %dma_start3A_157 = arith.constant 0 : i32
      %dma_start3A_158 = arith.constant 0 : i32
      %dma_start3A_159 = tpu.memref_slice %arg5[%dma_start3A_157, %dma_start3A_158] : memref<11008x4096xf32, #tpu.memory_space<hbm>> -> memref<11008x4096xf32, #tpu.memory_space<hbm>>
      tpu.enqueue_indirect_dma source(%dma_start3A_159 : memref<11008x4096xf32, #tpu.memory_space<hbm>>) target(%arg14 : memref<8x4096xf32, #tpu.memory_space<vmem>>) offsets(%dma_start3A_156 : memref<8xi32, #tpu.memory_space<vmem>>) semaphore(%arg16 : memref<!tpu.dma_semaphore, #tpu.memory_space<semaphore_mem>>)
      %dma_wait3A_160 = tpu.memref_slice %arg10[%mul3A_155] : memref<144xi32, #tpu.memory_space<vmem>> -> memref<8xi32, #tpu.memory_space<vmem>>
      %dma_wait3A_161 = arith.constant 0 : i32
      %dma_wait3A_162 = arith.constant 0 : i32
      %dma_wait3A_163 = tpu.memref_slice %arg5[%dma_wait3A_161, %dma_wait3A_162] : memref<11008x4096xf32, #tpu.memory_space<hbm>> -> memref<11008x4096xf32, #tpu.memory_space<hbm>>
      tpu.wait_indirect_dma semaphore(%arg16 : memref<!tpu.dma_semaphore, #tpu.memory_space<semaphore_mem>>) src(%dma_wait3A_163 : memref<11008x4096xf32, #tpu.memory_space<hbm>>) dst(%arg14 : memref<8x4096xf32, #tpu.memory_space<vmem>>)
      %add3A_164 = arith.constant 1 : i32
      %add3A_165 = arith.addi %mul3A_56, %add3A_164 : i32
      %mul3A_166 = arith.constant 8 : i32
      %mul3A_167 = arith.muli %add3A_165, %mul3A_166 : i32
      %get3A_168 = arith.index_cast %mul3A_167 : i32 to index
      %get3A_169 = tpu.vector_load %arg11[%get3A_168] {strides = array<i32>} : memref<144xf32, #tpu.memory_space<vmem>>, vector<16xf32>,
      %eq3A_170 = arith.constant 0 : i32
      %eq3A_171 = vector.broadcast %eq3A_170 : i32 to vector<16xi32>
      %eq3A_172 = arith.cmpi eq, %iota3A, %eq3A_171 : vector<16xi32>
      %jit3A_173 = arith.constant 0.000000e+00 : f32
      %broadcast_in_dim3A_174 = vector.broadcast %jit3A_173 : f32 to vector<16xf32>
      %select_n3A_175 = arith.select %eq3A_172, %get3A_169, %broadcast_in_dim3A_174 : vector<16xi1>, vector<16xf32>
      %reduce_sum3A_176 = arith.constant true
      %reduce_sum3A_177 = vector.broadcast %reduce_sum3A_176 : i1 to vector<16xi1>
      %reduce_sum3A_178 = tpu.scan <sum>, %select_n3A_175 masked %reduce_sum3A_177 : vector<16xf32>, vector<16xi1> -> vector<16xf32>
      %reduce_sum3A_179 = vector.extract %reduce_sum3A_178[15] : f32 from vector<16xf32>
      %eq3A_180 = arith.constant 1 : i32
      %eq3A_181 = vector.broadcast %eq3A_180 : i32 to vector<16xi32>
      %eq3A_182 = arith.cmpi eq, %iota3A, %eq3A_181 : vector<16xi32>
      %jit3A_183 = arith.constant 0.000000e+00 : f32
      %broadcast_in_dim3A_184 = vector.broadcast %jit3A_183 : f32 to vector<16xf32>
      %select_n3A_185 = arith.select %eq3A_182, %get3A_169, %broadcast_in_dim3A_184 : vector<16xi1>, vector<16xf32>
      %reduce_sum3A_186 = arith.constant true
      %reduce_sum3A_187 = vector.broadcast %reduce_sum3A_186 : i1 to vector<16xi1>
      %reduce_sum3A_188 = tpu.scan <sum>, %select_n3A_185 masked %reduce_sum3A_187 : vector<16xf32>, vector<16xi1> -> vector<16xf32>
      %reduce_sum3A_189 = vector.extract %reduce_sum3A_188[15] : f32 from vector<16xf32>
      %eq3A_190 = arith.constant 2 : i32
      %eq3A_191 = vector.broadcast %eq3A_190 : i32 to vector<16xi32>
      %eq3A_192 = arith.cmpi eq, %iota3A, %eq3A_191 : vector<16xi32>
      %jit3A_193 = arith.constant 0.000000e+00 : f32
      %broadcast_in_dim3A_194 = vector.broadcast %jit3A_193 : f32 to vector<16xf32>
      %select_n3A_195 = arith.select %eq3A_192, %get3A_169, %broadcast_in_dim3A_194 : vector<16xi1>, vector<16xf32>
      %reduce_sum3A_196 = arith.constant true
      %reduce_sum3A_197 = vector.broadcast %reduce_sum3A_196 : i1 to vector<16xi1>
      %reduce_sum3A_198 = tpu.scan <sum>, %select_n3A_195 masked %reduce_sum3A_197 : vector<16xf32>, vector<16xi1> -> vector<16xf32>
      %reduce_sum3A_199 = vector.extract %reduce_sum3A_198[15] : f32 from vector<16xf32>
      %eq3A_200 = arith.constant 3 : i32
      %eq3A_201 = vector.broadcast %eq3A_200 : i32 to vector<16xi32>
      %eq3A_202 = arith.cmpi eq, %iota3A, %eq3A_201 : vector<16xi32>
      %jit3A_203 = arith.constant 0.000000e+00 : f32
      %broadcast_in_dim3A_204 = vector.broadcast %jit3A_203 : f32 to vector<16xf32>
      %select_n3A_205 = arith.select %eq3A_202, %get3A_169, %broadcast_in_dim3A_204 : vector<16xi1>, vector<16xf32>
      %reduce_sum3A_206 = arith.constant true
      %reduce_sum3A_207 = vector.broadcast %reduce_sum3A_206 : i1 to vector<16xi1>
      %reduce_sum3A_208 = tpu.scan <sum>, %select_n3A_205 masked %reduce_sum3A_207 : vector<16xf32>, vector<16xi1> -> vector<16xf32>
      %reduce_sum3A_209 = vector.extract %reduce_sum3A_208[15] : f32 from vector<16xf32>
      %eq3A_210 = arith.constant 4 : i32
      %eq3A_211 = vector.broadcast %eq3A_210 : i32 to vector<16xi32>
      %eq3A_212 = arith.cmpi eq, %iota3A, %eq3A_211 : vector<16xi32>
      %jit3A_213 = arith.constant 0.000000e+00 : f32
      %broadcast_in_dim3A_214 = vector.broadcast %jit3A_213 : f32 to vector<16xf32>
      %select_n3A_215 = arith.select %eq3A_212, %get3A_169, %broadcast_in_dim3A_214 : vector<16xi1>, vector<16xf32>
      %reduce_sum3A_216 = arith.constant true
      %reduce_sum3A_217 = vector.broadcast %reduce_sum3A_216 : i1 to vector<16xi1>
      %reduce_sum3A_218 = tpu.scan <sum>, %select_n3A_215 masked %reduce_sum3A_217 : vector<16xf32>, vector<16xi1> -> vector<16xf32>
      %reduce_sum3A_219 = vector.extract %reduce_sum3A_218[15] : f32 from vector<16xf32>
      %eq3A_220 = arith.constant 5 : i32
      %eq3A_221 = vector.broadcast %eq3A_220 : i32 to vector<16xi32>
      %eq3A_222 = arith.cmpi eq, %iota3A, %eq3A_221 : vector<16xi32>
      %jit3A_223 = arith.constant 0.000000e+00 : f32
      %broadcast_in_dim3A_224 = vector.broadcast %jit3A_223 : f32 to vector<16xf32>
      %select_n3A_225 = arith.select %eq3A_222, %get3A_169, %broadcast_in_dim3A_224 : vector<16xi1>, vector<16xf32>
      %reduce_sum3A_226 = arith.constant true
      %reduce_sum3A_227 = vector.broadcast %reduce_sum3A_226 : i1 to vector<16xi1>
      %reduce_sum3A_228 = tpu.scan <sum>, %select_n3A_225 masked %reduce_sum3A_227 : vector<16xf32>, vector<16xi1> -> vector<16xf32>
      %reduce_sum3A_229 = vector.extract %reduce_sum3A_228[15] : f32 from vector<16xf32>
      %eq3A_230 = arith.constant 6 : i32
      %eq3A_231 = vector.broadcast %eq3A_230 : i32 to vector<16xi32>
      %eq3A_232 = arith.cmpi eq, %iota3A, %eq3A_231 : vector<16xi32>
      %jit3A_233 = arith.constant 0.000000e+00 : f32
      %broadcast_in_dim3A_234 = vector.broadcast %jit3A_233 : f32 to vector<16xf32>
      %select_n3A_235 = arith.select %eq3A_232, %get3A_169, %broadcast_in_dim3A_234 : vector<16xi1>, vector<16xf32>
      %reduce_sum3A_236 = arith.constant true
      %reduce_sum3A_237 = vector.broadcast %reduce_sum3A_236 : i1 to vector<16xi1>
      %reduce_sum3A_238 = tpu.scan <sum>, %select_n3A_235 masked %reduce_sum3A_237 : vector<16xf32>, vector<16xi1> -> vector<16xf32>
      %reduce_sum3A_239 = vector.extract %reduce_sum3A_238[15] : f32 from vector<16xf32>
      %eq3A_240 = arith.constant 7 : i32
      %eq3A_241 = vector.broadcast %eq3A_240 : i32 to vector<16xi32>
      %eq3A_242 = arith.cmpi eq, %iota3A, %eq3A_241 : vector<16xi32>
      %jit3A_243 = arith.constant 0.000000e+00 : f32
      %broadcast_in_dim3A_244 = vector.broadcast %jit3A_243 : f32 to vector<16xf32>
      %select_n3A_245 = arith.select %eq3A_242, %get3A_169, %broadcast_in_dim3A_244 : vector<16xi1>, vector<16xf32>
      %reduce_sum3A_246 = arith.constant true
      %reduce_sum3A_247 = vector.broadcast %reduce_sum3A_246 : i1 to vector<16xi1>
      %reduce_sum3A_248 = tpu.scan <sum>, %select_n3A_245 masked %reduce_sum3A_247 : vector<16xf32>, vector<16xi1> -> vector<16xf32>
      %reduce_sum3A_249 = vector.extract %reduce_sum3A_248[15] : f32 from vector<16xf32>
      %scan3A_250 = arith.constant 0 : i32
      %scan3A_251 = arith.constant 64 : i32
      %scan3A_252 = arith.addi %scan3A_250, %scan3A_251 : i32
      %scan3A_253 = arith.constant 1 : i32
      scf.for %scan3A_255 = %scan3A_250 to %scan3A_252 step %scan3A_253  : i32 {
        %mul3A_256 = arith.constant 4 : i32
        %mul3A_257 = arith.muli %scan3A_255, %mul3A_256 : i32
        %add3A_258 = arith.constant 0 : i32
        %add3A_259 = arith.addi %add3A_258, %mul3A_257 : i32
        %add3A_260 = arith.constant 0 : i32
        %add3A_261 = arith.addi %add3A_259, %add3A_260 : i32
        %mul3A_262 = arith.constant 16 : i32
        %mul3A_263 = arith.muli %add3A_261, %mul3A_262 : i32
        %get3A_264 = arith.constant 0 : i32
        %get3A_265 = arith.index_cast %get3A_264 : i32 to index
        %get3A_266 = arith.index_cast %mul3A_263 : i32 to index
        %get3A_267 = tpu.vector_load %arg14[%get3A_265, %get3A_266] {strides = array<i32>} : memref<8x4096xf32, #tpu.memory_space<vmem>>, vector<16xf32>,
        %mul3A_268 = vector.broadcast %reduce_sum3A_179 : f32 to vector<16xf32>
        %mul3A_269 = arith.mulf %mul3A_268, %get3A_267 : vector<16xf32>
        %get3A_270 = arith.constant 1 : i32
        %get3A_271 = arith.index_cast %get3A_270 : i32 to index
        %get3A_272 = arith.index_cast %mul3A_263 : i32 to index
        %get3A_273 = tpu.vector_load %arg14[%get3A_271, %get3A_272] {strides = array<i32>} : memref<8x4096xf32, #tpu.memory_space<vmem>>, vector<16xf32>,
        %mul3A_274 = vector.broadcast %reduce_sum3A_189 : f32 to vector<16xf32>
        %mul3A_275 = arith.mulf %mul3A_274, %get3A_273 : vector<16xf32>
        %get3A_276 = arith.constant 2 : i32
        %get3A_277 = arith.index_cast %get3A_276 : i32 to index
        %get3A_278 = arith.index_cast %mul3A_263 : i32 to index
        %get3A_279 = tpu.vector_load %arg14[%get3A_277, %get3A_278] {strides = array<i32>} : memref<8x4096xf32, #tpu.memory_space<vmem>>, vector<16xf32>,
        %mul3A_280 = vector.broadcast %reduce_sum3A_199 : f32 to vector<16xf32>
        %mul3A_281 = arith.mulf %mul3A_280, %get3A_279 : vector<16xf32>
        %get3A_282 = arith.constant 3 : i32
        %get3A_283 = arith.index_cast %get3A_282 : i32 to index
        %get3A_284 = arith.index_cast %mul3A_263 : i32 to index
        %get3A_285 = tpu.vector_load %arg14[%get3A_283, %get3A_284] {strides = array<i32>} : memref<8x4096xf32, #tpu.memory_space<vmem>>, vector<16xf32>,
        %mul3A_286 = vector.broadcast %reduce_sum3A_209 : f32 to vector<16xf32>
        %mul3A_287 = arith.mulf %mul3A_286, %get3A_285 : vector<16xf32>
        %get3A_288 = arith.constant 4 : i32
        %get3A_289 = arith.index_cast %get3A_288 : i32 to index
        %get3A_290 = arith.index_cast %mul3A_263 : i32 to index
        %get3A_291 = tpu.vector_load %arg14[%get3A_289, %get3A_290] {strides = array<i32>} : memref<8x4096xf32, #tpu.memory_space<vmem>>, vector<16xf32>,
        %mul3A_292 = vector.broadcast %reduce_sum3A_219 : f32 to vector<16xf32>
        %mul3A_293 = arith.mulf %mul3A_292, %get3A_291 : vector<16xf32>
        %get3A_294 = arith.constant 5 : i32
        %get3A_295 = arith.index_cast %get3A_294 : i32 to index
        %get3A_296 = arith.index_cast %mul3A_263 : i32 to index
        %get3A_297 = tpu.vector_load %arg14[%get3A_295, %get3A_296] {strides = array<i32>} : memref<8x4096xf32, #tpu.memory_space<vmem>>, vector<16xf32>,
        %mul3A_298 = vector.broadcast %reduce_sum3A_229 : f32 to vector<16xf32>
        %mul3A_299 = arith.mulf %mul3A_298, %get3A_297 : vector<16xf32>
        %get3A_300 = arith.constant 6 : i32
        %get3A_301 = arith.index_cast %get3A_300 : i32 to index
        %get3A_302 = arith.index_cast %mul3A_263 : i32 to index
        %get3A_303 = tpu.vector_load %arg14[%get3A_301, %get3A_302] {strides = array<i32>} : memref<8x4096xf32, #tpu.memory_space<vmem>>, vector<16xf32>,
        %mul3A_304 = vector.broadcast %reduce_sum3A_239 : f32 to vector<16xf32>
        %mul3A_305 = arith.mulf %mul3A_304, %get3A_303 : vector<16xf32>
        %get3A_306 = arith.constant 7 : i32
        %get3A_307 = arith.index_cast %get3A_306 : i32 to index
        %get3A_308 = arith.index_cast %mul3A_263 : i32 to index
        %get3A_309 = tpu.vector_load %arg14[%get3A_307, %get3A_308] {strides = array<i32>} : memref<8x4096xf32, #tpu.memory_space<vmem>>, vector<16xf32>,
        %mul3A_310 = vector.broadcast %reduce_sum3A_249 : f32 to vector<16xf32>
        %mul3A_311 = arith.mulf %mul3A_310, %get3A_309 : vector<16xf32>
        %add3A_312 = arith.addf %mul3A_269, %mul3A_275 : vector<16xf32>
        %add3A_313 = arith.addf %mul3A_281, %mul3A_287 : vector<16xf32>
        %add3A_314 = arith.addf %mul3A_293, %mul3A_299 : vector<16xf32>
        %add3A_315 = arith.addf %mul3A_305, %mul3A_311 : vector<16xf32>
        %add3A_316 = arith.addf %add3A_312, %add3A_313 : vector<16xf32>
        %add3A_317 = arith.addf %add3A_314, %add3A_315 : vector<16xf32>
        %add3A_318 = arith.addf %add3A_316, %add3A_317 : vector<16xf32>
        %get3A_319 = arith.index_cast %mul3A_263 : i32 to index
        %get3A_320 = tpu.vector_load %arg12[%get3A_319] {strides = array<i32>} : memref<4096xf32, #tpu.memory_space<vmem>>, vector<16xf32>,
        %add3A_321 = arith.addf %get3A_320, %add3A_318 : vector<16xf32>
        %swap3A = arith.index_cast %mul3A_263 : i32 to index
        %swap3A_322 = tpu.vector_load %arg12[%swap3A] {strides = array<i32>} : memref<4096xf32, #tpu.memory_space<vmem>>, vector<16xf32>,
        tpu.vector_store %arg12[%swap3A], %add3A_321 {strides = array<i32>} : memref<4096xf32, #tpu.memory_space<vmem>>, vector<16xf32>,
        %add3A_323 = arith.constant 1 : i32
        %add3A_324 = arith.addi %add3A_259, %add3A_323 : i32
        %mul3A_325 = arith.constant 16 : i32
        %mul3A_326 = arith.muli %add3A_324, %mul3A_325 : i32
        %get3A_327 = arith.constant 0 : i32
        %get3A_328 = arith.index_cast %get3A_327 : i32 to index
        %get3A_329 = arith.index_cast %mul3A_326 : i32 to index
        %get3A_330 = tpu.vector_load %arg14[%get3A_328, %get3A_329] {strides = array<i32>} : memref<8x4096xf32, #tpu.memory_space<vmem>>, vector<16xf32>,
        %mul3A_331 = vector.broadcast %reduce_sum3A_179 : f32 to vector<16xf32>
        %mul3A_332 = arith.mulf %mul3A_331, %get3A_330 : vector<16xf32>
        %get3A_333 = arith.constant 1 : i32
        %get3A_334 = arith.index_cast %get3A_333 : i32 to index
        %get3A_335 = arith.index_cast %mul3A_326 : i32 to index
        %get3A_336 = tpu.vector_load %arg14[%get3A_334, %get3A_335] {strides = array<i32>} : memref<8x4096xf32, #tpu.memory_space<vmem>>, vector<16xf32>,
        %mul3A_337 = vector.broadcast %reduce_sum3A_189 : f32 to vector<16xf32>
        %mul3A_338 = arith.mulf %mul3A_337, %get3A_336 : vector<16xf32>
        %get3A_339 = arith.constant 2 : i32
        %get3A_340 = arith.index_cast %get3A_339 : i32 to index
        %get3A_341 = arith.index_cast %mul3A_326 : i32 to index
        %get3A_342 = tpu.vector_load %arg14[%get3A_340, %get3A_341] {strides = array<i32>} : memref<8x4096xf32, #tpu.memory_space<vmem>>, vector<16xf32>,
        %mul3A_343 = vector.broadcast %reduce_sum3A_199 : f32 to vector<16xf32>
        %mul3A_344 = arith.mulf %mul3A_343, %get3A_342 : vector<16xf32>
        %get3A_345 = arith.constant 3 : i32
        %get3A_346 = arith.index_cast %get3A_345 : i32 to index
        %get3A_347 = arith.index_cast %mul3A_326 : i32 to index
        %get3A_348 = tpu.vector_load %arg14[%get3A_346, %get3A_347] {strides = array<i32>} : memref<8x4096xf32, #tpu.memory_space<vmem>>, vector<16xf32>,
        %mul3A_349 = vector.broadcast %reduce_sum3A_209 : f32 to vector<16xf32>
        %mul3A_350 = arith.mulf %mul3A_349, %get3A_348 : vector<16xf32>
        %get3A_351 = arith.constant 4 : i32
        %get3A_352 = arith.index_cast %get3A_351 : i32 to index
        %get3A_353 = arith.index_cast %mul3A_326 : i32 to index
        %get3A_354 = tpu.vector_load %arg14[%get3A_352, %get3A_353] {strides = array<i32>} : memref<8x4096xf32, #tpu.memory_space<vmem>>, vector<16xf32>,
        %mul3A_355 = vector.broadcast %reduce_sum3A_219 : f32 to vector<16xf32>
        %mul3A_356 = arith.mulf %mul3A_355, %get3A_354 : vector<16xf32>
        %get3A_357 = arith.constant 5 : i32
        %get3A_358 = arith.index_cast %get3A_357 : i32 to index
        %get3A_359 = arith.index_cast %mul3A_326 : i32 to index
        %get3A_360 = tpu.vector_load %arg14[%get3A_358, %get3A_359] {strides = array<i32>} : memref<8x4096xf32, #tpu.memory_space<vmem>>, vector<16xf32>,
        %mul3A_361 = vector.broadcast %reduce_sum3A_229 : f32 to vector<16xf32>
        %mul3A_362 = arith.mulf %mul3A_361, %get3A_360 : vector<16xf32>
        %get3A_363 = arith.constant 6 : i32
        %get3A_364 = arith.index_cast %get3A_363 : i32 to index
        %get3A_365 = arith.index_cast %mul3A_326 : i32 to index
        %get3A_366 = tpu.vector_load %arg14[%get3A_364, %get3A_365] {strides = array<i32>} : memref<8x4096xf32, #tpu.memory_space<vmem>>, vector<16xf32>,
        %mul3A_367 = vector.broadcast %reduce_sum3A_239 : f32 to vector<16xf32>
        %mul3A_368 = arith.mulf %mul3A_367, %get3A_366 : vector<16xf32>
        %get3A_369 = arith.constant 7 : i32
        %get3A_370 = arith.index_cast %get3A_369 : i32 to index
        %get3A_371 = arith.index_cast %mul3A_326 : i32 to index
        %get3A_372 = tpu.vector_load %arg14[%get3A_370, %get3A_371] {strides = array<i32>} : memref<8x4096xf32, #tpu.memory_space<vmem>>, vector<16xf32>,
        %mul3A_373 = vector.broadcast %reduce_sum3A_249 : f32 to vector<16xf32>
        %mul3A_374 = arith.mulf %mul3A_373, %get3A_372 : vector<16xf32>
        %add3A_375 = arith.addf %mul3A_332, %mul3A_338 : vector<16xf32>
        %add3A_376 = arith.addf %mul3A_344, %mul3A_350 : vector<16xf32>
        %add3A_377 = arith.addf %mul3A_356, %mul3A_362 : vector<16xf32>
        %add3A_378 = arith.addf %mul3A_368, %mul3A_374 : vector<16xf32>
        %add3A_379 = arith.addf %add3A_375, %add3A_376 : vector<16xf32>
        %add3A_380 = arith.addf %add3A_377, %add3A_378 : vector<16xf32>
        %add3A_381 = arith.addf %add3A_379, %add3A_380 : vector<16xf32>
        %get3A_382 = arith.index_cast %mul3A_326 : i32 to index
        %get3A_383 = tpu.vector_load %arg12[%get3A_382] {strides = array<i32>} : memref<4096xf32, #tpu.memory_space<vmem>>, vector<16xf32>,
        %add3A_384 = arith.addf %get3A_383, %add3A_381 : vector<16xf32>
        %swap3A_385 = arith.index_cast %mul3A_326 : i32 to index
        %swap3A_386 = tpu.vector_load %arg12[%swap3A_385] {strides = array<i32>} : memref<4096xf32, #tpu.memory_space<vmem>>, vector<16xf32>,
        tpu.vector_store %arg12[%swap3A_385], %add3A_384 {strides = array<i32>} : memref<4096xf32, #tpu.memory_space<vmem>>, vector<16xf32>,
        %add3A_387 = arith.constant 2 : i32
        %add3A_388 = arith.addi %add3A_259, %add3A_387 : i32
        %mul3A_389 = arith.constant 16 : i32
        %mul3A_390 = arith.muli %add3A_388, %mul3A_389 : i32
        %get3A_391 = arith.constant 0 : i32
        %get3A_392 = arith.index_cast %get3A_391 : i32 to index
        %get3A_393 = arith.index_cast %mul3A_390 : i32 to index
        %get3A_394 = tpu.vector_load %arg14[%get3A_392, %get3A_393] {strides = array<i32>} : memref<8x4096xf32, #tpu.memory_space<vmem>>, vector<16xf32>,
        %mul3A_395 = vector.broadcast %reduce_sum3A_179 : f32 to vector<16xf32>
        %mul3A_396 = arith.mulf %mul3A_395, %get3A_394 : vector<16xf32>
        %get3A_397 = arith.constant 1 : i32
        %get3A_398 = arith.index_cast %get3A_397 : i32 to index
        %get3A_399 = arith.index_cast %mul3A_390 : i32 to index
        %get3A_400 = tpu.vector_load %arg14[%get3A_398, %get3A_399] {strides = array<i32>} : memref<8x4096xf32, #tpu.memory_space<vmem>>, vector<16xf32>,
        %mul3A_401 = vector.broadcast %reduce_sum3A_189 : f32 to vector<16xf32>
        %mul3A_402 = arith.mulf %mul3A_401, %get3A_400 : vector<16xf32>
        %get3A_403 = arith.constant 2 : i32
        %get3A_404 = arith.index_cast %get3A_403 : i32 to index
        %get3A_405 = arith.index_cast %mul3A_390 : i32 to index
        %get3A_406 = tpu.vector_load %arg14[%get3A_404, %get3A_405] {strides = array<i32>} : memref<8x4096xf32, #tpu.memory_space<vmem>>, vector<16xf32>,
        %mul3A_407 = vector.broadcast %reduce_sum3A_199 : f32 to vector<16xf32>
        %mul3A_408 = arith.mulf %mul3A_407, %get3A_406 : vector<16xf32>
        %get3A_409 = arith.constant 3 : i32
        %get3A_410 = arith.index_cast %get3A_409 : i32 to index
        %get3A_411 = arith.index_cast %mul3A_390 : i32 to index
        %get3A_412 = tpu.vector_load %arg14[%get3A_410, %get3A_411] {strides = array<i32>} : memref<8x4096xf32, #tpu.memory_space<vmem>>, vector<16xf32>,
        %mul3A_413 = vector.broadcast %reduce_sum3A_209 : f32 to vector<16xf32>
        %mul3A_414 = arith.mulf %mul3A_413, %get3A_412 : vector<16xf32>
        %get3A_415 = arith.constant 4 : i32
        %get3A_416 = arith.index_cast %get3A_415 : i32 to index
        %get3A_417 = arith.index_cast %mul3A_390 : i32 to index
        %get3A_418 = tpu.vector_load %arg14[%get3A_416, %get3A_417] {strides = array<i32>} : memref<8x4096xf32, #tpu.memory_space<vmem>>, vector<16xf32>,
        %mul3A_419 = vector.broadcast %reduce_sum3A_219 : f32 to vector<16xf32>
        %mul3A_420 = arith.mulf %mul3A_419, %get3A_418 : vector<16xf32>
        %get3A_421 = arith.constant 5 : i32
        %get3A_422 = arith.index_cast %get3A_421 : i32 to index
        %get3A_423 = arith.index_cast %mul3A_390 : i32 to index
        %get3A_424 = tpu.vector_load %arg14[%get3A_422, %get3A_423] {strides = array<i32>} : memref<8x4096xf32, #tpu.memory_space<vmem>>, vector<16xf32>,
        %mul3A_425 = vector.broadcast %reduce_sum3A_229 : f32 to vector<16xf32>
        %mul3A_426 = arith.mulf %mul3A_425, %get3A_424 : vector<16xf32>
        %get3A_427 = arith.constant 6 : i32
        %get3A_428 = arith.index_cast %get3A_427 : i32 to index
        %get3A_429 = arith.index_cast %mul3A_390 : i32 to index
        %get3A_430 = tpu.vector_load %arg14[%get3A_428, %get3A_429] {strides = array<i32>} : memref<8x4096xf32, #tpu.memory_space<vmem>>, vector<16xf32>,
        %mul3A_431 = vector.broadcast %reduce_sum3A_239 : f32 to vector<16xf32>
        %mul3A_432 = arith.mulf %mul3A_431, %get3A_430 : vector<16xf32>
        %get3A_433 = arith.constant 7 : i32
        %get3A_434 = arith.index_cast %get3A_433 : i32 to index
        %get3A_435 = arith.index_cast %mul3A_390 : i32 to index
        %get3A_436 = tpu.vector_load %arg14[%get3A_434, %get3A_435] {strides = array<i32>} : memref<8x4096xf32, #tpu.memory_space<vmem>>, vector<16xf32>,
        %mul3A_437 = vector.broadcast %reduce_sum3A_249 : f32 to vector<16xf32>
        %mul3A_438 = arith.mulf %mul3A_437, %get3A_436 : vector<16xf32>
        %add3A_439 = arith.addf %mul3A_396, %mul3A_402 : vector<16xf32>
        %add3A_440 = arith.addf %mul3A_408, %mul3A_414 : vector<16xf32>
        %add3A_441 = arith.addf %mul3A_420, %mul3A_426 : vector<16xf32>
        %add3A_442 = arith.addf %mul3A_432, %mul3A_438 : vector<16xf32>
        %add3A_443 = arith.addf %add3A_439, %add3A_440 : vector<16xf32>
        %add3A_444 = arith.addf %add3A_441, %add3A_442 : vector<16xf32>
        %add3A_445 = arith.addf %add3A_443, %add3A_444 : vector<16xf32>
        %get3A_446 = arith.index_cast %mul3A_390 : i32 to index
        %get3A_447 = tpu.vector_load %arg12[%get3A_446] {strides = array<i32>} : memref<4096xf32, #tpu.memory_space<vmem>>, vector<16xf32>,
        %add3A_448 = arith.addf %get3A_447, %add3A_445 : vector<16xf32>
        %swap3A_449 = arith.index_cast %mul3A_390 : i32 to index
        %swap3A_450 = tpu.vector_load %arg12[%swap3A_449] {strides = array<i32>} : memref<4096xf32, #tpu.memory_space<vmem>>, vector<16xf32>,
        tpu.vector_store %arg12[%swap3A_449], %add3A_448 {strides = array<i32>} : memref<4096xf32, #tpu.memory_space<vmem>>, vector<16xf32>,
        %add3A_451 = arith.constant 3 : i32
        %add3A_452 = arith.addi %add3A_259, %add3A_451 : i32
        %mul3A_453 = arith.constant 16 : i32
        %mul3A_454 = arith.muli %add3A_452, %mul3A_453 : i32
        %get3A_455 = arith.constant 0 : i32
        %get3A_456 = arith.index_cast %get3A_455 : i32 to index
        %get3A_457 = arith.index_cast %mul3A_454 : i32 to index
        %get3A_458 = tpu.vector_load %arg14[%get3A_456, %get3A_457] {strides = array<i32>} : memref<8x4096xf32, #tpu.memory_space<vmem>>, vector<16xf32>,
        %mul3A_459 = vector.broadcast %reduce_sum3A_179 : f32 to vector<16xf32>
        %mul3A_460 = arith.mulf %mul3A_459, %get3A_458 : vector<16xf32>
        %get3A_461 = arith.constant 1 : i32
        %get3A_462 = arith.index_cast %get3A_461 : i32 to index
        %get3A_463 = arith.index_cast %mul3A_454 : i32 to index
        %get3A_464 = tpu.vector_load %arg14[%get3A_462, %get3A_463] {strides = array<i32>} : memref<8x4096xf32, #tpu.memory_space<vmem>>, vector<16xf32>,
        %mul3A_465 = vector.broadcast %reduce_sum3A_189 : f32 to vector<16xf32>
        %mul3A_466 = arith.mulf %mul3A_465, %get3A_464 : vector<16xf32>
        %get3A_467 = arith.constant 2 : i32
        %get3A_468 = arith.index_cast %get3A_467 : i32 to index
        %get3A_469 = arith.index_cast %mul3A_454 : i32 to index
        %get3A_470 = tpu.vector_load %arg14[%get3A_468, %get3A_469] {strides = array<i32>} : memref<8x4096xf32, #tpu.memory_space<vmem>>, vector<16xf32>,
        %mul3A_471 = vector.broadcast %reduce_sum3A_199 : f32 to vector<16xf32>
        %mul3A_472 = arith.mulf %mul3A_471, %get3A_470 : vector<16xf32>
        %get3A_473 = arith.constant 3 : i32
        %get3A_474 = arith.index_cast %get3A_473 : i32 to index
        %get3A_475 = arith.index_cast %mul3A_454 : i32 to index
        %get3A_476 = tpu.vector_load %arg14[%get3A_474, %get3A_475] {strides = array<i32>} : memref<8x4096xf32, #tpu.memory_space<vmem>>, vector<16xf32>,
        %mul3A_477 = vector.broadcast %reduce_sum3A_209 : f32 to vector<16xf32>
        %mul3A_478 = arith.mulf %mul3A_477, %get3A_476 : vector<16xf32>
        %get3A_479 = arith.constant 4 : i32
        %get3A_480 = arith.index_cast %get3A_479 : i32 to index
        %get3A_481 = arith.index_cast %mul3A_454 : i32 to index
        %get3A_482 = tpu.vector_load %arg14[%get3A_480, %get3A_481] {strides = array<i32>} : memref<8x4096xf32, #tpu.memory_space<vmem>>, vector<16xf32>,
        %mul3A_483 = vector.broadcast %reduce_sum3A_219 : f32 to vector<16xf32>
        %mul3A_484 = arith.mulf %mul3A_483, %get3A_482 : vector<16xf32>
        %get3A_485 = arith.constant 5 : i32
        %get3A_486 = arith.index_cast %get3A_485 : i32 to index
        %get3A_487 = arith.index_cast %mul3A_454 : i32 to index
        %get3A_488 = tpu.vector_load %arg14[%get3A_486, %get3A_487] {strides = array<i32>} : memref<8x4096xf32, #tpu.memory_space<vmem>>, vector<16xf32>,
        %mul3A_489 = vector.broadcast %reduce_sum3A_229 : f32 to vector<16xf32>
        %mul3A_490 = arith.mulf %mul3A_489, %get3A_488 : vector<16xf32>
        %get3A_491 = arith.constant 6 : i32
        %get3A_492 = arith.index_cast %get3A_491 : i32 to index
        %get3A_493 = arith.index_cast %mul3A_454 : i32 to index
        %get3A_494 = tpu.vector_load %arg14[%get3A_492, %get3A_493] {strides = array<i32>} : memref<8x4096xf32, #tpu.memory_space<vmem>>, vector<16xf32>,
        %mul3A_495 = vector.broadcast %reduce_sum3A_239 : f32 to vector<16xf32>
        %mul3A_496 = arith.mulf %mul3A_495, %get3A_494 : vector<16xf32>
        %get3A_497 = arith.constant 7 : i32
        %get3A_498 = arith.index_cast %get3A_497 : i32 to index
        %get3A_499 = arith.index_cast %mul3A_454 : i32 to index
        %get3A_500 = tpu.vector_load %arg14[%get3A_498, %get3A_499] {strides = array<i32>} : memref<8x4096xf32, #tpu.memory_space<vmem>>, vector<16xf32>,
        %mul3A_501 = vector.broadcast %reduce_sum3A_249 : f32 to vector<16xf32>
        %mul3A_502 = arith.mulf %mul3A_501, %get3A_500 : vector<16xf32>
        %add3A_503 = arith.addf %mul3A_460, %mul3A_466 : vector<16xf32>
        %add3A_504 = arith.addf %mul3A_472, %mul3A_478 : vector<16xf32>
        %add3A_505 = arith.addf %mul3A_484, %mul3A_490 : vector<16xf32>
        %add3A_506 = arith.addf %mul3A_496, %mul3A_502 : vector<16xf32>
        %add3A_507 = arith.addf %add3A_503, %add3A_504 : vector<16xf32>
        %add3A_508 = arith.addf %add3A_505, %add3A_506 : vector<16xf32>
        %add3A_509 = arith.addf %add3A_507, %add3A_508 : vector<16xf32>
        %get3A_510 = arith.index_cast %mul3A_454 : i32 to index
        %get3A_511 = tpu.vector_load %arg12[%get3A_510] {strides = array<i32>} : memref<4096xf32, #tpu.memory_space<vmem>>, vector<16xf32>,
        %add3A_512 = arith.addf %get3A_511, %add3A_509 : vector<16xf32>
        %swap3A_513 = arith.index_cast %mul3A_454 : i32 to index
        %swap3A_514 = tpu.vector_load %arg12[%swap3A_513] {strides = array<i32>} : memref<4096xf32, #tpu.memory_space<vmem>>, vector<16xf32>,
        tpu.vector_store %arg12[%swap3A_513], %add3A_512 {strides = array<i32>} : memref<4096xf32, #tpu.memory_space<vmem>>, vector<16xf32>,
      }
      %scan3A_254 = arith.constant 64 : i32
    }
    %while3A_53 = arith.constant 1 : i32
    scf.for %while3A_54 = %while3A_51 to %while3A_47 step %while3A_53  : i32 {
      %mul3A_55 = arith.constant 2 : i32
      %mul3A_56 = arith.muli %mul3A_55, %while3A_54 : i32
      %mul3A_57 = arith.constant 8 : i32
      %mul3A_58 = arith.muli %mul3A_56, %mul3A_57 : i32
      %dma_start3A = tpu.memref_slice %arg10[%mul3A_58] : memref<144xi32, #tpu.memory_space<vmem>> -> memref<8xi32, #tpu.memory_space<vmem>>
      %dma_start3A_59 = arith.constant 0 : i32
      %dma_start3A_60 = arith.constant 0 : i32
      %dma_start3A_61 = tpu.memref_slice %arg5[%dma_start3A_59, %dma_start3A_60] : memref<11008x4096xf32, #tpu.memory_space<hbm>> -> memref<11008x4096xf32, #tpu.memory_space<hbm>>
      tpu.enqueue_indirect_dma source(%dma_start3A_61 : memref<11008x4096xf32, #tpu.memory_space<hbm>>) target(%arg13 : memref<8x4096xf32, #tpu.memory_space<vmem>>) offsets(%dma_start3A : memref<8xi32, #tpu.memory_space<vmem>>) semaphore(%arg15 : memref<!tpu.dma_semaphore, #tpu.memory_space<semaphore_mem>>)
      %dma_wait3A = tpu.memref_slice %arg10[%mul3A_58] : memref<144xi32, #tpu.memory_space<vmem>> -> memref<8xi32, #tpu.memory_space<vmem>>
      %dma_wait3A_62 = arith.constant 0 : i32
      %dma_wait3A_63 = arith.constant 0 : i32
      %dma_wait3A_64 = tpu.memref_slice %arg5[%dma_wait3A_62, %dma_wait3A_63] : memref<11008x4096xf32, #tpu.memory_space<hbm>> -> memref<11008x4096xf32, #tpu.memory_space<hbm>>
      tpu.wait_indirect_dma semaphore(%arg15 : memref<!tpu.dma_semaphore, #tpu.memory_space<semaphore_mem>>) src(%dma_wait3A_64 : memref<11008x4096xf32, #tpu.memory_space<hbm>>) dst(%arg13 : memref<8x4096xf32, #tpu.memory_space<vmem>>)
      %mul3A_65 = arith.constant 8 : i32
      %mul3A_66 = arith.muli %mul3A_56, %mul3A_65 : i32
      %get3A_67 = arith.index_cast %mul3A_66 : i32 to index
      %get3A_68 = tpu.vector_load %arg11[%get3A_67] {strides = array<i32>} : memref<144xf32, #tpu.memory_space<vmem>>, vector<16xf32>,
      %eq3A = arith.constant 0 : i32
      %eq3A_69 = vector.broadcast %eq3A : i32 to vector<16xi32>
      %eq3A_70 = arith.cmpi eq, %iota3A, %eq3A_69 : vector<16xi32>
      %jit3A_71 = arith.constant 0.000000e+00 : f32
      %broadcast_in_dim3A_72 = vector.broadcast %jit3A_71 : f32 to vector<16xf32>
      %select_n3A_73 = arith.select %eq3A_70, %get3A_68, %broadcast_in_dim3A_72 : vector<16xi1>, vector<16xf32>
      %reduce_sum3A = arith.constant true
      %reduce_sum3A_74 = vector.broadcast %reduce_sum3A : i1 to vector<16xi1>
      %reduce_sum3A_75 = tpu.scan <sum>, %select_n3A_73 masked %reduce_sum3A_74 : vector<16xf32>, vector<16xi1> -> vector<16xf32>
      %reduce_sum3A_76 = vector.extract %reduce_sum3A_75[15] : f32 from vector<16xf32>
      %eq3A_77 = arith.constant 1 : i32
      %eq3A_78 = vector.broadcast %eq3A_77 : i32 to vector<16xi32>
      %eq3A_79 = arith.cmpi eq, %iota3A, %eq3A_78 : vector<16xi32>
      %jit3A_80 = arith.constant 0.000000e+00 : f32
      %broadcast_in_dim3A_81 = vector.broadcast %jit3A_80 : f32 to vector<16xf32>
      %select_n3A_82 = arith.select %eq3A_79, %get3A_68, %broadcast_in_dim3A_81 : vector<16xi1>, vector<16xf32>
      %reduce_sum3A_83 = arith.constant true
      %reduce_sum3A_84 = vector.broadcast %reduce_sum3A_83 : i1 to vector<16xi1>
      %reduce_sum3A_85 = tpu.scan <sum>, %select_n3A_82 masked %reduce_sum3A_84 : vector<16xf32>, vector<16xi1> -> vector<16xf32>
      %reduce_sum3A_86 = vector.extract %reduce_sum3A_85[15] : f32 from vector<16xf32>
      %eq3A_87 = arith.constant 2 : i32
      %eq3A_88 = vector.broadcast %eq3A_87 : i32 to vector<16xi32>
      %eq3A_89 = arith.cmpi eq, %iota3A, %eq3A_88 : vector<16xi32>
      %jit3A_90 = arith.constant 0.000000e+00 : f32
      %broadcast_in_dim3A_91 = vector.broadcast %jit3A_90 : f32 to vector<16xf32>
      %select_n3A_92 = arith.select %eq3A_89, %get3A_68, %broadcast_in_dim3A_91 : vector<16xi1>, vector<16xf32>
      %reduce_sum3A_93 = arith.constant true
      %reduce_sum3A_94 = vector.broadcast %reduce_sum3A_93 : i1 to vector<16xi1>
      %reduce_sum3A_95 = tpu.scan <sum>, %select_n3A_92 masked %reduce_sum3A_94 : vector<16xf32>, vector<16xi1> -> vector<16xf32>
      %reduce_sum3A_96 = vector.extract %reduce_sum3A_95[15] : f32 from vector<16xf32>
      %eq3A_97 = arith.constant 3 : i32
      %eq3A_98 = vector.broadcast %eq3A_97 : i32 to vector<16xi32>
      %eq3A_99 = arith.cmpi eq, %iota3A, %eq3A_98 : vector<16xi32>
      %jit3A_100 = arith.constant 0.000000e+00 : f32
      %broadcast_in_dim3A_101 = vector.broadcast %jit3A_100 : f32 to vector<16xf32>
      %select_n3A_102 = arith.select %eq3A_99, %get3A_68, %broadcast_in_dim3A_101 : vector<16xi1>, vector<16xf32>
      %reduce_sum3A_103 = arith.constant true
      %reduce_sum3A_104 = vector.broadcast %reduce_sum3A_103 : i1 to vector<16xi1>
      %reduce_sum3A_105 = tpu.scan <sum>, %select_n3A_102 masked %reduce_sum3A_104 : vector<16xf32>, vector<16xi1> -> vector<16xf32>
      %reduce_sum3A_106 = vector.extract %reduce_sum3A_105[15] : f32 from vector<16xf32>
      %eq3A_107 = arith.constant 4 : i32
      %eq3A_108 = vector.broadcast %eq3A_107 : i32 to vector<16xi32>
      %eq3A_109 = arith.cmpi eq, %iota3A, %eq3A_108 : vector<16xi32>
      %jit3A_110 = arith.constant 0.000000e+00 : f32
      %broadcast_in_dim3A_111 = vector.broadcast %jit3A_110 : f32 to vector<16xf32>
      %select_n3A_112 = arith.select %eq3A_109, %get3A_68, %broadcast_in_dim3A_111 : vector<16xi1>, vector<16xf32>
      %reduce_sum3A_113 = arith.constant true
      %reduce_sum3A_114 = vector.broadcast %reduce_sum3A_113 : i1 to vector<16xi1>
      %reduce_sum3A_115 = tpu.scan <sum>, %select_n3A_112 masked %reduce_sum3A_114 : vector<16xf32>, vector<16xi1> -> vector<16xf32>
      %reduce_sum3A_116 = vector.extract %reduce_sum3A_115[15] : f32 from vector<16xf32>
      %eq3A_117 = arith.constant 5 : i32
      %eq3A_118 = vector.broadcast %eq3A_117 : i32 to vector<16xi32>
      %eq3A_119 = arith.cmpi eq, %iota3A, %eq3A_118 : vector<16xi32>
      %jit3A_120 = arith.constant 0.000000e+00 : f32
      %broadcast_in_dim3A_121 = vector.broadcast %jit3A_120 : f32 to vector<16xf32>
      %select_n3A_122 = arith.select %eq3A_119, %get3A_68, %broadcast_in_dim3A_121 : vector<16xi1>, vector<16xf32>
      %reduce_sum3A_123 = arith.constant true
      %reduce_sum3A_124 = vector.broadcast %reduce_sum3A_123 : i1 to vector<16xi1>
      %reduce_sum3A_125 = tpu.scan <sum>, %select_n3A_122 masked %reduce_sum3A_124 : vector<16xf32>, vector<16xi1> -> vector<16xf32>
      %reduce_sum3A_126 = vector.extract %reduce_sum3A_125[15] : f32 from vector<16xf32>
      %eq3A_127 = arith.constant 6 : i32
      %eq3A_128 = vector.broadcast %eq3A_127 : i32 to vector<16xi32>
      %eq3A_129 = arith.cmpi eq, %iota3A, %eq3A_128 : vector<16xi32>
      %jit3A_130 = arith.constant 0.000000e+00 : f32
      %broadcast_in_dim3A_131 = vector.broadcast %jit3A_130 : f32 to vector<16xf32>
      %select_n3A_132 = arith.select %eq3A_129, %get3A_68, %broadcast_in_dim3A_131 : vector<16xi1>, vector<16xf32>
      %reduce_sum3A_133 = arith.constant true
      %reduce_sum3A_134 = vector.broadcast %reduce_sum3A_133 : i1 to vector<16xi1>
      %reduce_sum3A_135 = tpu.scan <sum>, %select_n3A_132 masked %reduce_sum3A_134 : vector<16xf32>, vector<16xi1> -> vector<16xf32>
      %reduce_sum3A_136 = vector.extract %reduce_sum3A_135[15] : f32 from vector<16xf32>
      %eq3A_137 = arith.constant 7 : i32
      %eq3A_138 = vector.broadcast %eq3A_137 : i32 to vector<16xi32>
      %eq3A_139 = arith.cmpi eq, %iota3A, %eq3A_138 : vector<16xi32>
      %jit3A_140 = arith.constant 0.000000e+00 : f32
      %broadcast_in_dim3A_141 = vector.broadcast %jit3A_140 : f32 to vector<16xf32>
      %select_n3A_142 = arith.select %eq3A_139, %get3A_68, %broadcast_in_dim3A_141 : vector<16xi1>, vector<16xf32>
      %reduce_sum3A_143 = arith.constant true
      %reduce_sum3A_144 = vector.broadcast %reduce_sum3A_143 : i1 to vector<16xi1>
      %reduce_sum3A_145 = tpu.scan <sum>, %select_n3A_142 masked %reduce_sum3A_144 : vector<16xf32>, vector<16xi1> -> vector<16xf32>
      %reduce_sum3A_146 = vector.extract %reduce_sum3A_145[15] : f32 from vector<16xf32>
      %scan3A_147 = arith.constant 0 : i32
      %scan3A_148 = arith.constant 64 : i32
      %scan3A_149 = arith.addi %scan3A_147, %scan3A_148 : i32
      %scan3A_150 = arith.constant 1 : i32
      scf.for %scan3A_255 = %scan3A_147 to %scan3A_149 step %scan3A_150  : i32 {
        %mul3A_256 = arith.constant 4 : i32
        %mul3A_257 = arith.muli %scan3A_255, %mul3A_256 : i32
        %add3A_258 = arith.constant 0 : i32
        %add3A_259 = arith.addi %add3A_258, %mul3A_257 : i32
        %add3A_260 = arith.constant 0 : i32
        %add3A_261 = arith.addi %add3A_259, %add3A_260 : i32
        %mul3A_262 = arith.constant 16 : i32
        %mul3A_263 = arith.muli %add3A_261, %mul3A_262 : i32
        %get3A_264 = arith.constant 0 : i32
        %get3A_265 = arith.index_cast %get3A_264 : i32 to index
        %get3A_266 = arith.index_cast %mul3A_263 : i32 to index
        %get3A_267 = tpu.vector_load %arg13[%get3A_265, %get3A_266] {strides = array<i32>} : memref<8x4096xf32, #tpu.memory_space<vmem>>, vector<16xf32>,
        %mul3A_268 = vector.broadcast %reduce_sum3A_76 : f32 to vector<16xf32>
        %mul3A_269 = arith.mulf %mul3A_268, %get3A_267 : vector<16xf32>
        %get3A_270 = arith.constant 1 : i32
        %get3A_271 = arith.index_cast %get3A_270 : i32 to index
        %get3A_272 = arith.index_cast %mul3A_263 : i32 to index
        %get3A_273 = tpu.vector_load %arg13[%get3A_271, %get3A_272] {strides = array<i32>} : memref<8x4096xf32, #tpu.memory_space<vmem>>, vector<16xf32>,
        %mul3A_274 = vector.broadcast %reduce_sum3A_86 : f32 to vector<16xf32>
        %mul3A_275 = arith.mulf %mul3A_274, %get3A_273 : vector<16xf32>
        %get3A_276 = arith.constant 2 : i32
        %get3A_277 = arith.index_cast %get3A_276 : i32 to index
        %get3A_278 = arith.index_cast %mul3A_263 : i32 to index
        %get3A_279 = tpu.vector_load %arg13[%get3A_277, %get3A_278] {strides = array<i32>} : memref<8x4096xf32, #tpu.memory_space<vmem>>, vector<16xf32>,
        %mul3A_280 = vector.broadcast %reduce_sum3A_96 : f32 to vector<16xf32>
        %mul3A_281 = arith.mulf %mul3A_280, %get3A_279 : vector<16xf32>
        %get3A_282 = arith.constant 3 : i32
        %get3A_283 = arith.index_cast %get3A_282 : i32 to index
        %get3A_284 = arith.index_cast %mul3A_263 : i32 to index
        %get3A_285 = tpu.vector_load %arg13[%get3A_283, %get3A_284] {strides = array<i32>} : memref<8x4096xf32, #tpu.memory_space<vmem>>, vector<16xf32>,
        %mul3A_286 = vector.broadcast %reduce_sum3A_106 : f32 to vector<16xf32>
        %mul3A_287 = arith.mulf %mul3A_286, %get3A_285 : vector<16xf32>
        %get3A_288 = arith.constant 4 : i32
        %get3A_289 = arith.index_cast %get3A_288 : i32 to index
        %get3A_290 = arith.index_cast %mul3A_263 : i32 to index
        %get3A_291 = tpu.vector_load %arg13[%get3A_289, %get3A_290] {strides = array<i32>} : memref<8x4096xf32, #tpu.memory_space<vmem>>, vector<16xf32>,
        %mul3A_292 = vector.broadcast %reduce_sum3A_116 : f32 to vector<16xf32>
        %mul3A_293 = arith.mulf %mul3A_292, %get3A_291 : vector<16xf32>
        %get3A_294 = arith.constant 5 : i32
        %get3A_295 = arith.index_cast %get3A_294 : i32 to index
        %get3A_296 = arith.index_cast %mul3A_263 : i32 to index
        %get3A_297 = tpu.vector_load %arg13[%get3A_295, %get3A_296] {strides = array<i32>} : memref<8x4096xf32, #tpu.memory_space<vmem>>, vector<16xf32>,
        %mul3A_298 = vector.broadcast %reduce_sum3A_126 : f32 to vector<16xf32>
        %mul3A_299 = arith.mulf %mul3A_298, %get3A_297 : vector<16xf32>
        %get3A_300 = arith.constant 6 : i32
        %get3A_301 = arith.index_cast %get3A_300 : i32 to index
        %get3A_302 = arith.index_cast %mul3A_263 : i32 to index
        %get3A_303 = tpu.vector_load %arg13[%get3A_301, %get3A_302] {strides = array<i32>} : memref<8x4096xf32, #tpu.memory_space<vmem>>, vector<16xf32>,
        %mul3A_304 = vector.broadcast %reduce_sum3A_136 : f32 to vector<16xf32>
        %mul3A_305 = arith.mulf %mul3A_304, %get3A_303 : vector<16xf32>
        %get3A_306 = arith.constant 7 : i32
        %get3A_307 = arith.index_cast %get3A_306 : i32 to index
        %get3A_308 = arith.index_cast %mul3A_263 : i32 to index
        %get3A_309 = tpu.vector_load %arg13[%get3A_307, %get3A_308] {strides = array<i32>} : memref<8x4096xf32, #tpu.memory_space<vmem>>, vector<16xf32>,
        %mul3A_310 = vector.broadcast %reduce_sum3A_146 : f32 to vector<16xf32>
        %mul3A_311 = arith.mulf %mul3A_310, %get3A_309 : vector<16xf32>
        %add3A_312 = arith.addf %mul3A_269, %mul3A_275 : vector<16xf32>
        %add3A_313 = arith.addf %mul3A_281, %mul3A_287 : vector<16xf32>
        %add3A_314 = arith.addf %mul3A_293, %mul3A_299 : vector<16xf32>
        %add3A_315 = arith.addf %mul3A_305, %mul3A_311 : vector<16xf32>
        %add3A_316 = arith.addf %add3A_312, %add3A_313 : vector<16xf32>
        %add3A_317 = arith.addf %add3A_314, %add3A_315 : vector<16xf32>
        %add3A_318 = arith.addf %add3A_316, %add3A_317 : vector<16xf32>
        %get3A_319 = arith.index_cast %mul3A_263 : i32 to index
        %get3A_320 = tpu.vector_load %arg12[%get3A_319] {strides = array<i32>} : memref<4096xf32, #tpu.memory_space<vmem>>, vector<16xf32>,
        %add3A_321 = arith.addf %get3A_320, %add3A_318 : vector<16xf32>
        %swap3A = arith.index_cast %mul3A_263 : i32 to index
        %swap3A_322 = tpu.vector_load %arg12[%swap3A] {strides = array<i32>} : memref<4096xf32, #tpu.memory_space<vmem>>, vector<16xf32>,
        tpu.vector_store %arg12[%swap3A], %add3A_321 {strides = array<i32>} : memref<4096xf32, #tpu.memory_space<vmem>>, vector<16xf32>,
        %add3A_323 = arith.constant 1 : i32
        %add3A_324 = arith.addi %add3A_259, %add3A_323 : i32
        %mul3A_325 = arith.constant 16 : i32
        %mul3A_326 = arith.muli %add3A_324, %mul3A_325 : i32
        %get3A_327 = arith.constant 0 : i32
        %get3A_328 = arith.index_cast %get3A_327 : i32 to index
        %get3A_329 = arith.index_cast %mul3A_326 : i32 to index
        %get3A_330 = tpu.vector_load %arg13[%get3A_328, %get3A_329] {strides = array<i32>} : memref<8x4096xf32, #tpu.memory_space<vmem>>, vector<16xf32>,
        %mul3A_331 = vector.broadcast %reduce_sum3A_76 : f32 to vector<16xf32>
        %mul3A_332 = arith.mulf %mul3A_331, %get3A_330 : vector<16xf32>
        %get3A_333 = arith.constant 1 : i32
        %get3A_334 = arith.index_cast %get3A_333 : i32 to index
        %get3A_335 = arith.index_cast %mul3A_326 : i32 to index
        %get3A_336 = tpu.vector_load %arg13[%get3A_334, %get3A_335] {strides = array<i32>} : memref<8x4096xf32, #tpu.memory_space<vmem>>, vector<16xf32>,
        %mul3A_337 = vector.broadcast %reduce_sum3A_86 : f32 to vector<16xf32>
        %mul3A_338 = arith.mulf %mul3A_337, %get3A_336 : vector<16xf32>
        %get3A_339 = arith.constant 2 : i32
        %get3A_340 = arith.index_cast %get3A_339 : i32 to index
        %get3A_341 = arith.index_cast %mul3A_326 : i32 to index
        %get3A_342 = tpu.vector_load %arg13[%get3A_340, %get3A_341] {strides = array<i32>} : memref<8x4096xf32, #tpu.memory_space<vmem>>, vector<16xf32>,
        %mul3A_343 = vector.broadcast %reduce_sum3A_96 : f32 to vector<16xf32>
        %mul3A_344 = arith.mulf %mul3A_343, %get3A_342 : vector<16xf32>
        %get3A_345 = arith.constant 3 : i32
        %get3A_346 = arith.index_cast %get3A_345 : i32 to index
        %get3A_347 = arith.index_cast %mul3A_326 : i32 to index
        %get3A_348 = tpu.vector_load %arg13[%get3A_346, %get3A_347] {strides = array<i32>} : memref<8x4096xf32, #tpu.memory_space<vmem>>, vector<16xf32>,
        %mul3A_349 = vector.broadcast %reduce_sum3A_106 : f32 to vector<16xf32>
        %mul3A_350 = arith.mulf %mul3A_349, %get3A_348 : vector<16xf32>
        %get3A_351 = arith.constant 4 : i32
        %get3A_352 = arith.index_cast %get3A_351 : i32 to index
        %get3A_353 = arith.index_cast %mul3A_326 : i32 to index
        %get3A_354 = tpu.vector_load %arg13[%get3A_352, %get3A_353] {strides = array<i32>} : memref<8x4096xf32, #tpu.memory_space<vmem>>, vector<16xf32>,
        %mul3A_355 = vector.broadcast %reduce_sum3A_116 : f32 to vector<16xf32>
        %mul3A_356 = arith.mulf %mul3A_355, %get3A_354 : vector<16xf32>
        %get3A_357 = arith.constant 5 : i32
        %get3A_358 = arith.index_cast %get3A_357 : i32 to index
        %get3A_359 = arith.index_cast %mul3A_326 : i32 to index
        %get3A_360 = tpu.vector_load %arg13[%get3A_358, %get3A_359] {strides = array<i32>} : memref<8x4096xf32, #tpu.memory_space<vmem>>, vector<16xf32>,
        %mul3A_361 = vector.broadcast %reduce_sum3A_126 : f32 to vector<16xf32>
        %mul3A_362 = arith.mulf %mul3A_361, %get3A_360 : vector<16xf32>
        %get3A_363 = arith.constant 6 : i32
        %get3A_364 = arith.index_cast %get3A_363 : i32 to index
        %get3A_365 = arith.index_cast %mul3A_326 : i32 to index
        %get3A_366 = tpu.vector_load %arg13[%get3A_364, %get3A_365] {strides = array<i32>} : memref<8x4096xf32, #tpu.memory_space<vmem>>, vector<16xf32>,
        %mul3A_367 = vector.broadcast %reduce_sum3A_136 : f32 to vector<16xf32>
        %mul3A_368 = arith.mulf %mul3A_367, %get3A_366 : vector<16xf32>
        %get3A_369 = arith.constant 7 : i32
        %get3A_370 = arith.index_cast %get3A_369 : i32 to index
        %get3A_371 = arith.index_cast %mul3A_326 : i32 to index
        %get3A_372 = tpu.vector_load %arg13[%get3A_370, %get3A_371] {strides = array<i32>} : memref<8x4096xf32, #tpu.memory_space<vmem>>, vector<16xf32>,
        %mul3A_373 = vector.broadcast %reduce_sum3A_146 : f32 to vector<16xf32>
        %mul3A_374 = arith.mulf %mul3A_373, %get3A_372 : vector<16xf32>
        %add3A_375 = arith.addf %mul3A_332, %mul3A_338 : vector<16xf32>
        %add3A_376 = arith.addf %mul3A_344, %mul3A_350 : vector<16xf32>
        %add3A_377 = arith.addf %mul3A_356, %mul3A_362 : vector<16xf32>
        %add3A_378 = arith.addf %mul3A_368, %mul3A_374 : vector<16xf32>
        %add3A_379 = arith.addf %add3A_375, %add3A_376 : vector<16xf32>
        %add3A_380 = arith.addf %add3A_377, %add3A_378 : vector<16xf32>
        %add3A_381 = arith.addf %add3A_379, %add3A_380 : vector<16xf32>
        %get3A_382 = arith.index_cast %mul3A_326 : i32 to index
        %get3A_383 = tpu.vector_load %arg12[%get3A_382] {strides = array<i32>} : memref<4096xf32, #tpu.memory_space<vmem>>, vector<16xf32>,
        %add3A_384 = arith.addf %get3A_383, %add3A_381 : vector<16xf32>
        %swap3A_385 = arith.index_cast %mul3A_326 : i32 to index
        %swap3A_386 = tpu.vector_load %arg12[%swap3A_385] {strides = array<i32>} : memref<4096xf32, #tpu.memory_space<vmem>>, vector<16xf32>,
        tpu.vector_store %arg12[%swap3A_385], %add3A_384 {strides = array<i32>} : memref<4096xf32, #tpu.memory_space<vmem>>, vector<16xf32>,
        %add3A_387 = arith.constant 2 : i32
        %add3A_388 = arith.addi %add3A_259, %add3A_387 : i32
        %mul3A_389 = arith.constant 16 : i32
        %mul3A_390 = arith.muli %add3A_388, %mul3A_389 : i32
        %get3A_391 = arith.constant 0 : i32
        %get3A_392 = arith.index_cast %get3A_391 : i32 to index
        %get3A_393 = arith.index_cast %mul3A_390 : i32 to index
        %get3A_394 = tpu.vector_load %arg13[%get3A_392, %get3A_393] {strides = array<i32>} : memref<8x4096xf32, #tpu.memory_space<vmem>>, vector<16xf32>,
        %mul3A_395 = vector.broadcast %reduce_sum3A_76 : f32 to vector<16xf32>
        %mul3A_396 = arith.mulf %mul3A_395, %get3A_394 : vector<16xf32>
        %get3A_397 = arith.constant 1 : i32
        %get3A_398 = arith.index_cast %get3A_397 : i32 to index
        %get3A_399 = arith.index_cast %mul3A_390 : i32 to index
        %get3A_400 = tpu.vector_load %arg13[%get3A_398, %get3A_399] {strides = array<i32>} : memref<8x4096xf32, #tpu.memory_space<vmem>>, vector<16xf32>,
        %mul3A_401 = vector.broadcast %reduce_sum3A_86 : f32 to vector<16xf32>
        %mul3A_402 = arith.mulf %mul3A_401, %get3A_400 : vector<16xf32>
        %get3A_403 = arith.constant 2 : i32
        %get3A_404 = arith.index_cast %get3A_403 : i32 to index
        %get3A_405 = arith.index_cast %mul3A_390 : i32 to index
        %get3A_406 = tpu.vector_load %arg13[%get3A_404, %get3A_405] {strides = array<i32>} : memref<8x4096xf32, #tpu.memory_space<vmem>>, vector<16xf32>,
        %mul3A_407 = vector.broadcast %reduce_sum3A_96 : f32 to vector<16xf32>
        %mul3A_408 = arith.mulf %mul3A_407, %get3A_406 : vector<16xf32>
        %get3A_409 = arith.constant 3 : i32
        %get3A_410 = arith.index_cast %get3A_409 : i32 to index
        %get3A_411 = arith.index_cast %mul3A_390 : i32 to index
        %get3A_412 = tpu.vector_load %arg13[%get3A_410, %get3A_411] {strides = array<i32>} : memref<8x4096xf32, #tpu.memory_space<vmem>>, vector<16xf32>,
        %mul3A_413 = vector.broadcast %reduce_sum3A_106 : f32 to vector<16xf32>
        %mul3A_414 = arith.mulf %mul3A_413, %get3A_412 : vector<16xf32>
        %get3A_415 = arith.constant 4 : i32
        %get3A_416 = arith.index_cast %get3A_415 : i32 to index
        %get3A_417 = arith.index_cast %mul3A_390 : i32 to index
        %get3A_418 = tpu.vector_load %arg13[%get3A_416, %get3A_417] {strides = array<i32>} : memref<8x4096xf32, #tpu.memory_space<vmem>>, vector<16xf32>,
        %mul3A_419 = vector.broadcast %reduce_sum3A_116 : f32 to vector<16xf32>
        %mul3A_420 = arith.mulf %mul3A_419, %get3A_418 : vector<16xf32>
        %get3A_421 = arith.constant 5 : i32
        %get3A_422 = arith.index_cast %get3A_421 : i32 to index
        %get3A_423 = arith.index_cast %mul3A_390 : i32 to index
        %get3A_424 = tpu.vector_load %arg13[%get3A_422, %get3A_423] {strides = array<i32>} : memref<8x4096xf32, #tpu.memory_space<vmem>>, vector<16xf32>,
        %mul3A_425 = vector.broadcast %reduce_sum3A_126 : f32 to vector<16xf32>
        %mul3A_426 = arith.mulf %mul3A_425, %get3A_424 : vector<16xf32>
        %get3A_427 = arith.constant 6 : i32
        %get3A_428 = arith.index_cast %get3A_427 : i32 to index
        %get3A_429 = arith.index_cast %mul3A_390 : i32 to index
        %get3A_430 = tpu.vector_load %arg13[%get3A_428, %get3A_429] {strides = array<i32>} : memref<8x4096xf32, #tpu.memory_space<vmem>>, vector<16xf32>,
        %mul3A_431 = vector.broadcast %reduce_sum3A_136 : f32 to vector<16xf32>
        %mul3A_432 = arith.mulf %mul3A_431, %get3A_430 : vector<16xf32>
        %get3A_433 = arith.constant 7 : i32
        %get3A_434 = arith.index_cast %get3A_433 : i32 to index
        %get3A_435 = arith.index_cast %mul3A_390 : i32 to index
        %get3A_436 = tpu.vector_load %arg13[%get3A_434, %get3A_435] {strides = array<i32>} : memref<8x4096xf32, #tpu.memory_space<vmem>>, vector<16xf32>,
        %mul3A_437 = vector.broadcast %reduce_sum3A_146 : f32 to vector<16xf32>
        %mul3A_438 = arith.mulf %mul3A_437, %get3A_436 : vector<16xf32>
        %add3A_439 = arith.addf %mul3A_396, %mul3A_402 : vector<16xf32>
        %add3A_440 = arith.addf %mul3A_408, %mul3A_414 : vector<16xf32>
        %add3A_441 = arith.addf %mul3A_420, %mul3A_426 : vector<16xf32>
        %add3A_442 = arith.addf %mul3A_432, %mul3A_438 : vector<16xf32>
        %add3A_443 = arith.addf %add3A_439, %add3A_440 : vector<16xf32>
        %add3A_444 = arith.addf %add3A_441, %add3A_442 : vector<16xf32>
        %add3A_445 = arith.addf %add3A_443, %add3A_444 : vector<16xf32>
        %get3A_446 = arith.index_cast %mul3A_390 : i32 to index
        %get3A_447 = tpu.vector_load %arg12[%get3A_446] {strides = array<i32>} : memref<4096xf32, #tpu.memory_space<vmem>>, vector<16xf32>,
        %add3A_448 = arith.addf %get3A_447, %add3A_445 : vector<16xf32>
        %swap3A_449 = arith.index_cast %mul3A_390 : i32 to index
        %swap3A_450 = tpu.vector_load %arg12[%swap3A_449] {strides = array<i32>} : memref<4096xf32, #tpu.memory_space<vmem>>, vector<16xf32>,
        tpu.vector_store %arg12[%swap3A_449], %add3A_448 {strides = array<i32>} : memref<4096xf32, #tpu.memory_space<vmem>>, vector<16xf32>,
        %add3A_451 = arith.constant 3 : i32
        %add3A_452 = arith.addi %add3A_259, %add3A_451 : i32
        %mul3A_453 = arith.constant 16 : i32
        %mul3A_454 = arith.muli %add3A_452, %mul3A_453 : i32
        %get3A_455 = arith.constant 0 : i32
        %get3A_456 = arith.index_cast %get3A_455 : i32 to index
        %get3A_457 = arith.index_cast %mul3A_454 : i32 to index
        %get3A_458 = tpu.vector_load %arg13[%get3A_456, %get3A_457] {strides = array<i32>} : memref<8x4096xf32, #tpu.memory_space<vmem>>, vector<16xf32>,
        %mul3A_459 = vector.broadcast %reduce_sum3A_76 : f32 to vector<16xf32>
        %mul3A_460 = arith.mulf %mul3A_459, %get3A_458 : vector<16xf32>
        %get3A_461 = arith.constant 1 : i32
        %get3A_462 = arith.index_cast %get3A_461 : i32 to index
        %get3A_463 = arith.index_cast %mul3A_454 : i32 to index
        %get3A_464 = tpu.vector_load %arg13[%get3A_462, %get3A_463] {strides = array<i32>} : memref<8x4096xf32, #tpu.memory_space<vmem>>, vector<16xf32>,
        %mul3A_465 = vector.broadcast %reduce_sum3A_86 : f32 to vector<16xf32>
        %mul3A_466 = arith.mulf %mul3A_465, %get3A_464 : vector<16xf32>
        %get3A_467 = arith.constant 2 : i32
        %get3A_468 = arith.index_cast %get3A_467 : i32 to index
        %get3A_469 = arith.index_cast %mul3A_454 : i32 to index
        %get3A_470 = tpu.vector_load %arg13[%get3A_468, %get3A_469] {strides = array<i32>} : memref<8x4096xf32, #tpu.memory_space<vmem>>, vector<16xf32>,
        %mul3A_471 = vector.broadcast %reduce_sum3A_96 : f32 to vector<16xf32>
        %mul3A_472 = arith.mulf %mul3A_471, %get3A_470 : vector<16xf32>
        %get3A_473 = arith.constant 3 : i32
        %get3A_474 = arith.index_cast %get3A_473 : i32 to index
        %get3A_475 = arith.index_cast %mul3A_454 : i32 to index
        %get3A_476 = tpu.vector_load %arg13[%get3A_474, %get3A_475] {strides = array<i32>} : memref<8x4096xf32, #tpu.memory_space<vmem>>, vector<16xf32>,
        %mul3A_477 = vector.broadcast %reduce_sum3A_106 : f32 to vector<16xf32>
        %mul3A_478 = arith.mulf %mul3A_477, %get3A_476 : vector<16xf32>
        %get3A_479 = arith.constant 4 : i32
        %get3A_480 = arith.index_cast %get3A_479 : i32 to index
        %get3A_481 = arith.index_cast %mul3A_454 : i32 to index
        %get3A_482 = tpu.vector_load %arg13[%get3A_480, %get3A_481] {strides = array<i32>} : memref<8x4096xf32, #tpu.memory_space<vmem>>, vector<16xf32>,
        %mul3A_483 = vector.broadcast %reduce_sum3A_116 : f32 to vector<16xf32>
        %mul3A_484 = arith.mulf %mul3A_483, %get3A_482 : vector<16xf32>
        %get3A_485 = arith.constant 5 : i32
        %get3A_486 = arith.index_cast %get3A_485 : i32 to index
        %get3A_487 = arith.index_cast %mul3A_454 : i32 to index
        %get3A_488 = tpu.vector_load %arg13[%get3A_486, %get3A_487] {strides = array<i32>} : memref<8x4096xf32, #tpu.memory_space<vmem>>, vector<16xf32>,
        %mul3A_489 = vector.broadcast %reduce_sum3A_126 : f32 to vector<16xf32>
        %mul3A_490 = arith.mulf %mul3A_489, %get3A_488 : vector<16xf32>
        %get3A_491 = arith.constant 6 : i32
        %get3A_492 = arith.index_cast %get3A_491 : i32 to index
        %get3A_493 = arith.index_cast %mul3A_454 : i32 to index
        %get3A_494 = tpu.vector_load %arg13[%get3A_492, %get3A_493] {strides = array<i32>} : memref<8x4096xf32, #tpu.memory_space<vmem>>, vector<16xf32>,
        %mul3A_495 = vector.broadcast %reduce_sum3A_136 : f32 to vector<16xf32>
        %mul3A_496 = arith.mulf %mul3A_495, %get3A_494 : vector<16xf32>
        %get3A_497 = arith.constant 7 : i32
        %get3A_498 = arith.index_cast %get3A_497 : i32 to index
        %get3A_499 = arith.index_cast %mul3A_454 : i32 to index
        %get3A_500 = tpu.vector_load %arg13[%get3A_498, %get3A_499] {strides = array<i32>} : memref<8x4096xf32, #tpu.memory_space<vmem>>, vector<16xf32>,
        %mul3A_501 = vector.broadcast %reduce_sum3A_146 : f32 to vector<16xf32>
        %mul3A_502 = arith.mulf %mul3A_501, %get3A_500 : vector<16xf32>
        %add3A_503 = arith.addf %mul3A_460, %mul3A_466 : vector<16xf32>
        %add3A_504 = arith.addf %mul3A_472, %mul3A_478 : vector<16xf32>
        %add3A_505 = arith.addf %mul3A_484, %mul3A_490 : vector<16xf32>
        %add3A_506 = arith.addf %mul3A_496, %mul3A_502 : vector<16xf32>
        %add3A_507 = arith.addf %add3A_503, %add3A_504 : vector<16xf32>
        %add3A_508 = arith.addf %add3A_505, %add3A_506 : vector<16xf32>
        %add3A_509 = arith.addf %add3A_507, %add3A_508 : vector<16xf32>
        %get3A_510 = arith.index_cast %mul3A_454 : i32 to index
        %get3A_511 = tpu.vector_load %arg12[%get3A_510] {strides = array<i32>} : memref<4096xf32, #tpu.memory_space<vmem>>, vector<16xf32>,
        %add3A_512 = arith.addf %get3A_511, %add3A_509 : vector<16xf32>
        %swap3A_513 = arith.index_cast %mul3A_454 : i32 to index
        %swap3A_514 = tpu.vector_load %arg12[%swap3A_513] {strides = array<i32>} : memref<4096xf32, #tpu.memory_space<vmem>>, vector<16xf32>,
        tpu.vector_store %arg12[%swap3A_513], %add3A_512 {strides = array<i32>} : memref<4096xf32, #tpu.memory_space<vmem>>, vector<16xf32>,
      }
      %scan3A_151 = arith.constant 64 : i32
      %add3A_152 = arith.constant 1 : i32
      %add3A_153 = arith.addi %mul3A_56, %add3A_152 : i32
      %mul3A_154 = arith.constant 8 : i32
      %mul3A_155 = arith.muli %add3A_153, %mul3A_154 : i32
      %dma_start3A_156 = tpu.memref_slice %arg10[%mul3A_155] : memref<144xi32, #tpu.memory_space<vmem>> -> memref<8xi32, #tpu.memory_space<vmem>>
      %dma_start3A_157 = arith.constant 0 : i32
      %dma_start3A_158 = arith.constant 0 : i32
      %dma_start3A_159 = tpu.memref_slice %arg5[%dma_start3A_157, %dma_start3A_158] : memref<11008x4096xf32, #tpu.memory_space<hbm>> -> memref<11008x4096xf32, #tpu.memory_space<hbm>>
      tpu.enqueue_indirect_dma source(%dma_start3A_159 : memref<11008x4096xf32, #tpu.memory_space<hbm>>) target(%arg14 : memref<8x4096xf32, #tpu.memory_space<vmem>>) offsets(%dma_start3A_156 : memref<8xi32, #tpu.memory_space<vmem>>) semaphore(%arg16 : memref<!tpu.dma_semaphore, #tpu.memory_space<semaphore_mem>>)
      %dma_wait3A_160 = tpu.memref_slice %arg10[%mul3A_155] : memref<144xi32, #tpu.memory_space<vmem>> -> memref<8xi32, #tpu.memory_space<vmem>>
      %dma_wait3A_161 = arith.constant 0 : i32
      %dma_wait3A_162 = arith.constant 0 : i32
      %dma_wait3A_163 = tpu.memref_slice %arg5[%dma_wait3A_161, %dma_wait3A_162] : memref<11008x4096xf32, #tpu.memory_space<hbm>> -> memref<11008x4096xf32, #tpu.memory_space<hbm>>
      tpu.wait_indirect_dma semaphore(%arg16 : memref<!tpu.dma_semaphore, #tpu.memory_space<semaphore_mem>>) src(%dma_wait3A_163 : memref<11008x4096xf32, #tpu.memory_space<hbm>>) dst(%arg14 : memref<8x4096xf32, #tpu.memory_space<vmem>>)
      %add3A_164 = arith.constant 1 : i32
      %add3A_165 = arith.addi %mul3A_56, %add3A_164 : i32
      %mul3A_166 = arith.constant 8 : i32
      %mul3A_167 = arith.muli %add3A_165, %mul3A_166 : i32
      %get3A_168 = arith.index_cast %mul3A_167 : i32 to index
      %get3A_169 = tpu.vector_load %arg11[%get3A_168] {strides = array<i32>} : memref<144xf32, #tpu.memory_space<vmem>>, vector<16xf32>,
      %eq3A_170 = arith.constant 0 : i32
      %eq3A_171 = vector.broadcast %eq3A_170 : i32 to vector<16xi32>
      %eq3A_172 = arith.cmpi eq, %iota3A, %eq3A_171 : vector<16xi32>
      %jit3A_173 = arith.constant 0.000000e+00 : f32
      %broadcast_in_dim3A_174 = vector.broadcast %jit3A_173 : f32 to vector<16xf32>
      %select_n3A_175 = arith.select %eq3A_172, %get3A_169, %broadcast_in_dim3A_174 : vector<16xi1>, vector<16xf32>
      %reduce_sum3A_176 = arith.constant true
      %reduce_sum3A_177 = vector.broadcast %reduce_sum3A_176 : i1 to vector<16xi1>
      %reduce_sum3A_178 = tpu.scan <sum>, %select_n3A_175 masked %reduce_sum3A_177 : vector<16xf32>, vector<16xi1> -> vector<16xf32>
      %reduce_sum3A_179 = vector.extract %reduce_sum3A_178[15] : f32 from vector<16xf32>
      %eq3A_180 = arith.constant 1 : i32
      %eq3A_181 = vector.broadcast %eq3A_180 : i32 to vector<16xi32>
      %eq3A_182 = arith.cmpi eq, %iota3A, %eq3A_181 : vector<16xi32>
      %jit3A_183 = arith.constant 0.000000e+00 : f32
      %broadcast_in_dim3A_184 = vector.broadcast %jit3A_183 : f32 to vector<16xf32>
      %select_n3A_185 = arith.select %eq3A_182, %get3A_169, %broadcast_in_dim3A_184 : vector<16xi1>, vector<16xf32>
      %reduce_sum3A_186 = arith.constant true
      %reduce_sum3A_187 = vector.broadcast %reduce_sum3A_186 : i1 to vector<16xi1>
      %reduce_sum3A_188 = tpu.scan <sum>, %select_n3A_185 masked %reduce_sum3A_187 : vector<16xf32>, vector<16xi1> -> vector<16xf32>
      %reduce_sum3A_189 = vector.extract %reduce_sum3A_188[15] : f32 from vector<16xf32>
      %eq3A_190 = arith.constant 2 : i32
      %eq3A_191 = vector.broadcast %eq3A_190 : i32 to vector<16xi32>
      %eq3A_192 = arith.cmpi eq, %iota3A, %eq3A_191 : vector<16xi32>
      %jit3A_193 = arith.constant 0.000000e+00 : f32
      %broadcast_in_dim3A_194 = vector.broadcast %jit3A_193 : f32 to vector<16xf32>
      %select_n3A_195 = arith.select %eq3A_192, %get3A_169, %broadcast_in_dim3A_194 : vector<16xi1>, vector<16xf32>
      %reduce_sum3A_196 = arith.constant true
      %reduce_sum3A_197 = vector.broadcast %reduce_sum3A_196 : i1 to vector<16xi1>
      %reduce_sum3A_198 = tpu.scan <sum>, %select_n3A_195 masked %reduce_sum3A_197 : vector<16xf32>, vector<16xi1> -> vector<16xf32>
      %reduce_sum3A_199 = vector.extract %reduce_sum3A_198[15] : f32 from vector<16xf32>
      %eq3A_200 = arith.constant 3 : i32
      %eq3A_201 = vector.broadcast %eq3A_200 : i32 to vector<16xi32>
      %eq3A_202 = arith.cmpi eq, %iota3A, %eq3A_201 : vector<16xi32>
      %jit3A_203 = arith.constant 0.000000e+00 : f32
      %broadcast_in_dim3A_204 = vector.broadcast %jit3A_203 : f32 to vector<16xf32>
      %select_n3A_205 = arith.select %eq3A_202, %get3A_169, %broadcast_in_dim3A_204 : vector<16xi1>, vector<16xf32>
      %reduce_sum3A_206 = arith.constant true
      %reduce_sum3A_207 = vector.broadcast %reduce_sum3A_206 : i1 to vector<16xi1>
      %reduce_sum3A_208 = tpu.scan <sum>, %select_n3A_205 masked %reduce_sum3A_207 : vector<16xf32>, vector<16xi1> -> vector<16xf32>
      %reduce_sum3A_209 = vector.extract %reduce_sum3A_208[15] : f32 from vector<16xf32>
      %eq3A_210 = arith.constant 4 : i32
      %eq3A_211 = vector.broadcast %eq3A_210 : i32 to vector<16xi32>
      %eq3A_212 = arith.cmpi eq, %iota3A, %eq3A_211 : vector<16xi32>
      %jit3A_213 = arith.constant 0.000000e+00 : f32
      %broadcast_in_dim3A_214 = vector.broadcast %jit3A_213 : f32 to vector<16xf32>
      %select_n3A_215 = arith.select %eq3A_212, %get3A_169, %broadcast_in_dim3A_214 : vector<16xi1>, vector<16xf32>
      %reduce_sum3A_216 = arith.constant true
      %reduce_sum3A_217 = vector.broadcast %reduce_sum3A_216 : i1 to vector<16xi1>
      %reduce_sum3A_218 = tpu.scan <sum>, %select_n3A_215 masked %reduce_sum3A_217 : vector<16xf32>, vector<16xi1> -> vector<16xf32>
      %reduce_sum3A_219 = vector.extract %reduce_sum3A_218[15] : f32 from vector<16xf32>
      %eq3A_220 = arith.constant 5 : i32
      %eq3A_221 = vector.broadcast %eq3A_220 : i32 to vector<16xi32>
      %eq3A_222 = arith.cmpi eq, %iota3A, %eq3A_221 : vector<16xi32>
      %jit3A_223 = arith.constant 0.000000e+00 : f32
      %broadcast_in_dim3A_224 = vector.broadcast %jit3A_223 : f32 to vector<16xf32>
      %select_n3A_225 = arith.select %eq3A_222, %get3A_169, %broadcast_in_dim3A_224 : vector<16xi1>, vector<16xf32>
      %reduce_sum3A_226 = arith.constant true
      %reduce_sum3A_227 = vector.broadcast %reduce_sum3A_226 : i1 to vector<16xi1>
      %reduce_sum3A_228 = tpu.scan <sum>, %select_n3A_225 masked %reduce_sum3A_227 : vector<16xf32>, vector<16xi1> -> vector<16xf32>
      %reduce_sum3A_229 = vector.extract %reduce_sum3A_228[15] : f32 from vector<16xf32>
      %eq3A_230 = arith.constant 6 : i32
      %eq3A_231 = vector.broadcast %eq3A_230 : i32 to vector<16xi32>
      %eq3A_232 = arith.cmpi eq, %iota3A, %eq3A_231 : vector<16xi32>
      %jit3A_233 = arith.constant 0.000000e+00 : f32
      %broadcast_in_dim3A_234 = vector.broadcast %jit3A_233 : f32 to vector<16xf32>
      %select_n3A_235 = arith.select %eq3A_232, %get3A_169, %broadcast_in_dim3A_234 : vector<16xi1>, vector<16xf32>
      %reduce_sum3A_236 = arith.constant true
      %reduce_sum3A_237 = vector.broadcast %reduce_sum3A_236 : i1 to vector<16xi1>
      %reduce_sum3A_238 = tpu.scan <sum>, %select_n3A_235 masked %reduce_sum3A_237 : vector<16xf32>, vector<16xi1> -> vector<16xf32>
      %reduce_sum3A_239 = vector.extract %reduce_sum3A_238[15] : f32 from vector<16xf32>
      %eq3A_240 = arith.constant 7 : i32
      %eq3A_241 = vector.broadcast %eq3A_240 : i32 to vector<16xi32>
      %eq3A_242 = arith.cmpi eq, %iota3A, %eq3A_241 : vector<16xi32>
      %jit3A_243 = arith.constant 0.000000e+00 : f32
      %broadcast_in_dim3A_244 = vector.broadcast %jit3A_243 : f32 to vector<16xf32>
      %select_n3A_245 = arith.select %eq3A_242, %get3A_169, %broadcast_in_dim3A_244 : vector<16xi1>, vector<16xf32>
      %reduce_sum3A_246 = arith.constant true
      %reduce_sum3A_247 = vector.broadcast %reduce_sum3A_246 : i1 to vector<16xi1>
      %reduce_sum3A_248 = tpu.scan <sum>, %select_n3A_245 masked %reduce_sum3A_247 : vector<16xf32>, vector<16xi1> -> vector<16xf32>
      %reduce_sum3A_249 = vector.extract %reduce_sum3A_248[15] : f32 from vector<16xf32>
      %scan3A_250 = arith.constant 0 : i32
      %scan3A_251 = arith.constant 64 : i32
      %scan3A_252 = arith.addi %scan3A_250, %scan3A_251 : i32
      %scan3A_253 = arith.constant 1 : i32
      scf.for %scan3A_255 = %scan3A_250 to %scan3A_252 step %scan3A_253  : i32 {
        %mul3A_256 = arith.constant 4 : i32
        %mul3A_257 = arith.muli %scan3A_255, %mul3A_256 : i32
        %add3A_258 = arith.constant 0 : i32
        %add3A_259 = arith.addi %add3A_258, %mul3A_257 : i32
        %add3A_260 = arith.constant 0 : i32
        %add3A_261 = arith.addi %add3A_259, %add3A_260 : i32
        %mul3A_262 = arith.constant 16 : i32
        %mul3A_263 = arith.muli %add3A_261, %mul3A_262 : i32
        %get3A_264 = arith.constant 0 : i32
        %get3A_265 = arith.index_cast %get3A_264 : i32 to index
        %get3A_266 = arith.index_cast %mul3A_263 : i32 to index
        %get3A_267 = tpu.vector_load %arg14[%get3A_265, %get3A_266] {strides = array<i32>} : memref<8x4096xf32, #tpu.memory_space<vmem>>, vector<16xf32>,
        %mul3A_268 = vector.broadcast %reduce_sum3A_179 : f32 to vector<16xf32>
        %mul3A_269 = arith.mulf %mul3A_268, %get3A_267 : vector<16xf32>
        %get3A_270 = arith.constant 1 : i32
        %get3A_271 = arith.index_cast %get3A_270 : i32 to index
        %get3A_272 = arith.index_cast %mul3A_263 : i32 to index
        %get3A_273 = tpu.vector_load %arg14[%get3A_271, %get3A_272] {strides = array<i32>} : memref<8x4096xf32, #tpu.memory_space<vmem>>, vector<16xf32>,
        %mul3A_274 = vector.broadcast %reduce_sum3A_189 : f32 to vector<16xf32>
        %mul3A_275 = arith.mulf %mul3A_274, %get3A_273 : vector<16xf32>
        %get3A_276 = arith.constant 2 : i32
        %get3A_277 = arith.index_cast %get3A_276 : i32 to index
        %get3A_278 = arith.index_cast %mul3A_263 : i32 to index
        %get3A_279 = tpu.vector_load %arg14[%get3A_277, %get3A_278] {strides = array<i32>} : memref<8x4096xf32, #tpu.memory_space<vmem>>, vector<16xf32>,
        %mul3A_280 = vector.broadcast %reduce_sum3A_199 : f32 to vector<16xf32>
        %mul3A_281 = arith.mulf %mul3A_280, %get3A_279 : vector<16xf32>
        %get3A_282 = arith.constant 3 : i32
        %get3A_283 = arith.index_cast %get3A_282 : i32 to index
        %get3A_284 = arith.index_cast %mul3A_263 : i32 to index
        %get3A_285 = tpu.vector_load %arg14[%get3A_283, %get3A_284] {strides = array<i32>} : memref<8x4096xf32, #tpu.memory_space<vmem>>, vector<16xf32>,
        %mul3A_286 = vector.broadcast %reduce_sum3A_209 : f32 to vector<16xf32>
        %mul3A_287 = arith.mulf %mul3A_286, %get3A_285 : vector<16xf32>
        %get3A_288 = arith.constant 4 : i32
        %get3A_289 = arith.index_cast %get3A_288 : i32 to index
        %get3A_290 = arith.index_cast %mul3A_263 : i32 to index
        %get3A_291 = tpu.vector_load %arg14[%get3A_289, %get3A_290] {strides = array<i32>} : memref<8x4096xf32, #tpu.memory_space<vmem>>, vector<16xf32>,
        %mul3A_292 = vector.broadcast %reduce_sum3A_219 : f32 to vector<16xf32>
        %mul3A_293 = arith.mulf %mul3A_292, %get3A_291 : vector<16xf32>
        %get3A_294 = arith.constant 5 : i32
        %get3A_295 = arith.index_cast %get3A_294 : i32 to index
        %get3A_296 = arith.index_cast %mul3A_263 : i32 to index
        %get3A_297 = tpu.vector_load %arg14[%get3A_295, %get3A_296] {strides = array<i32>} : memref<8x4096xf32, #tpu.memory_space<vmem>>, vector<16xf32>,
        %mul3A_298 = vector.broadcast %reduce_sum3A_229 : f32 to vector<16xf32>
        %mul3A_299 = arith.mulf %mul3A_298, %get3A_297 : vector<16xf32>
        %get3A_300 = arith.constant 6 : i32
        %get3A_301 = arith.index_cast %get3A_300 : i32 to index
        %get3A_302 = arith.index_cast %mul3A_263 : i32 to index
        %get3A_303 = tpu.vector_load %arg14[%get3A_301, %get3A_302] {strides = array<i32>} : memref<8x4096xf32, #tpu.memory_space<vmem>>, vector<16xf32>,
        %mul3A_304 = vector.broadcast %reduce_sum3A_239 : f32 to vector<16xf32>
        %mul3A_305 = arith.mulf %mul3A_304, %get3A_303 : vector<16xf32>
        %get3A_306 = arith.constant 7 : i32
        %get3A_307 = arith.index_cast %get3A_306 : i32 to index
        %get3A_308 = arith.index_cast %mul3A_263 : i32 to index
        %get3A_309 = tpu.vector_load %arg14[%get3A_307, %get3A_308] {strides = array<i32>} : memref<8x4096xf32, #tpu.memory_space<vmem>>, vector<16xf32>,
        %mul3A_310 = vector.broadcast %reduce_sum3A_249 : f32 to vector<16xf32>
        %mul3A_311 = arith.mulf %mul3A_310, %get3A_309 : vector<16xf32>
        %add3A_312 = arith.addf %mul3A_269, %mul3A_275 : vector<16xf32>
        %add3A_313 = arith.addf %mul3A_281, %mul3A_287 : vector<16xf32>
        %add3A_314 = arith.addf %mul3A_293, %mul3A_299 : vector<16xf32>
        %add3A_315 = arith.addf %mul3A_305, %mul3A_311 : vector<16xf32>
        %add3A_316 = arith.addf %add3A_312, %add3A_313 : vector<16xf32>
        %add3A_317 = arith.addf %add3A_314, %add3A_315 : vector<16xf32>
        %add3A_318 = arith.addf %add3A_316, %add3A_317 : vector<16xf32>
        %get3A_319 = arith.index_cast %mul3A_263 : i32 to index
        %get3A_320 = tpu.vector_load %arg12[%get3A_319] {strides = array<i32>} : memref<4096xf32, #tpu.memory_space<vmem>>, vector<16xf32>,
        %add3A_321 = arith.addf %get3A_320, %add3A_318 : vector<16xf32>
        %swap3A = arith.index_cast %mul3A_263 : i32 to index
        %swap3A_322 = tpu.vector_load %arg12[%swap3A] {strides = array<i32>} : memref<4096xf32, #tpu.memory_space<vmem>>, vector<16xf32>,
        tpu.vector_store %arg12[%swap3A], %add3A_321 {strides = array<i32>} : memref<4096xf32, #tpu.memory_space<vmem>>, vector<16xf32>,
        %add3A_323 = arith.constant 1 : i32
        %add3A_324 = arith.addi %add3A_259, %add3A_323 : i32
        %mul3A_325 = arith.constant 16 : i32
        %mul3A_326 = arith.muli %add3A_324, %mul3A_325 : i32
        %get3A_327 = arith.constant 0 : i32
        %get3A_328 = arith.index_cast %get3A_327 : i32 to index
        %get3A_329 = arith.index_cast %mul3A_326 : i32 to index
        %get3A_330 = tpu.vector_load %arg14[%get3A_328, %get3A_329] {strides = array<i32>} : memref<8x4096xf32, #tpu.memory_space<vmem>>, vector<16xf32>,
        %mul3A_331 = vector.broadcast %reduce_sum3A_179 : f32 to vector<16xf32>
        %mul3A_332 = arith.mulf %mul3A_331, %get3A_330 : vector<16xf32>
        %get3A_333 = arith.constant 1 : i32
        %get3A_334 = arith.index_cast %get3A_333 : i32 to index
        %get3A_335 = arith.index_cast %mul3A_326 : i32 to index
        %get3A_336 = tpu.vector_load %arg14[%get3A_334, %get3A_335] {strides = array<i32>} : memref<8x4096xf32, #tpu.memory_space<vmem>>, vector<16xf32>,
        %mul3A_337 = vector.broadcast %reduce_sum3A_189 : f32 to vector<16xf32>
        %mul3A_338 = arith.mulf %mul3A_337, %get3A_336 : vector<16xf32>
        %get3A_339 = arith.constant 2 : i32
        %get3A_340 = arith.index_cast %get3A_339 : i32 to index
        %get3A_341 = arith.index_cast %mul3A_326 : i32 to index
        %get3A_342 = tpu.vector_load %arg14[%get3A_340, %get3A_341] {strides = array<i32>} : memref<8x4096xf32, #tpu.memory_space<vmem>>, vector<16xf32>,
        %mul3A_343 = vector.broadcast %reduce_sum3A_199 : f32 to vector<16xf32>
        %mul3A_344 = arith.mulf %mul3A_343, %get3A_342 : vector<16xf32>
        %get3A_345 = arith.constant 3 : i32
        %get3A_346 = arith.index_cast %get3A_345 : i32 to index
        %get3A_347 = arith.index_cast %mul3A_326 : i32 to index
        %get3A_348 = tpu.vector_load %arg14[%get3A_346, %get3A_347] {strides = array<i32>} : memref<8x4096xf32, #tpu.memory_space<vmem>>, vector<16xf32>,
        %mul3A_349 = vector.broadcast %reduce_sum3A_209 : f32 to vector<16xf32>
        %mul3A_350 = arith.mulf %mul3A_349, %get3A_348 : vector<16xf32>
        %get3A_351 = arith.constant 4 : i32
        %get3A_352 = arith.index_cast %get3A_351 : i32 to index
        %get3A_353 = arith.index_cast %mul3A_326 : i32 to index
        %get3A_354 = tpu.vector_load %arg14[%get3A_352, %get3A_353] {strides = array<i32>} : memref<8x4096xf32, #tpu.memory_space<vmem>>, vector<16xf32>,
        %mul3A_355 = vector.broadcast %reduce_sum3A_219 : f32 to vector<16xf32>
        %mul3A_356 = arith.mulf %mul3A_355, %get3A_354 : vector<16xf32>
        %get3A_357 = arith.constant 5 : i32
        %get3A_358 = arith.index_cast %get3A_357 : i32 to index
        %get3A_359 = arith.index_cast %mul3A_326 : i32 to index
        %get3A_360 = tpu.vector_load %arg14[%get3A_358, %get3A_359] {strides = array<i32>} : memref<8x4096xf32, #tpu.memory_space<vmem>>, vector<16xf32>,
        %mul3A_361 = vector.broadcast %reduce_sum3A_229 : f32 to vector<16xf32>
        %mul3A_362 = arith.mulf %mul3A_361, %get3A_360 : vector<16xf32>
        %get3A_363 = arith.constant 6 : i32
        %get3A_364 = arith.index_cast %get3A_363 : i32 to index
        %get3A_365 = arith.index_cast %mul3A_326 : i32 to index
        %get3A_366 = tpu.vector_load %arg14[%get3A_364, %get3A_365] {strides = array<i32>} : memref<8x4096xf32, #tpu.memory_space<vmem>>, vector<16xf32>,
        %mul3A_367 = vector.broadcast %reduce_sum3A_239 : f32 to vector<16xf32>
        %mul3A_368 = arith.mulf %mul3A_367, %get3A_366 : vector<16xf32>
        %get3A_369 = arith.constant 7 : i32
        %get3A_370 = arith.index_cast %get3A_369 : i32 to index
        %get3A_371 = arith.index_cast %mul3A_326 : i32 to index
        %get3A_372 = tpu.vector_load %arg14[%get3A_370, %get3A_371] {strides = array<i32>} : memref<8x4096xf32, #tpu.memory_space<vmem>>, vector<16xf32>,
        %mul3A_373 = vector.broadcast %reduce_sum3A_249 : f32 to vector<16xf32>
        %mul3A_374 = arith.mulf %mul3A_373, %get3A_372 : vector<16xf32>
        %add3A_375 = arith.addf %mul3A_332, %mul3A_338 : vector<16xf32>
        %add3A_376 = arith.addf %mul3A_344, %mul3A_350 : vector<16xf32>
        %add3A_377 = arith.addf %mul3A_356, %mul3A_362 : vector<16xf32>
        %add3A_378 = arith.addf %mul3A_368, %mul3A_374 : vector<16xf32>
        %add3A_379 = arith.addf %add3A_375, %add3A_376 : vector<16xf32>
        %add3A_380 = arith.addf %add3A_377, %add3A_378 : vector<16xf32>
        %add3A_381 = arith.addf %add3A_379, %add3A_380 : vector<16xf32>
        %get3A_382 = arith.index_cast %mul3A_326 : i32 to index
        %get3A_383 = tpu.vector_load %arg12[%get3A_382] {strides = array<i32>} : memref<4096xf32, #tpu.memory_space<vmem>>, vector<16xf32>,
        %add3A_384 = arith.addf %get3A_383, %add3A_381 : vector<16xf32>
        %swap3A_385 = arith.index_cast %mul3A_326 : i32 to index
        %swap3A_386 = tpu.vector_load %arg12[%swap3A_385] {strides = array<i32>} : memref<4096xf32, #tpu.memory_space<vmem>>, vector<16xf32>,
        tpu.vector_store %arg12[%swap3A_385], %add3A_384 {strides = array<i32>} : memref<4096xf32, #tpu.memory_space<vmem>>, vector<16xf32>,
        %add3A_387 = arith.constant 2 : i32
        %add3A_388 = arith.addi %add3A_259, %add3A_387 : i32
        %mul3A_389 = arith.constant 16 : i32
        %mul3A_390 = arith.muli %add3A_388, %mul3A_389 : i32
        %get3A_391 = arith.constant 0 : i32
        %get3A_392 = arith.index_cast %get3A_391 : i32 to index
        %get3A_393 = arith.index_cast %mul3A_390 : i32 to index
        %get3A_394 = tpu.vector_load %arg14[%get3A_392, %get3A_393] {strides = array<i32>} : memref<8x4096xf32, #tpu.memory_space<vmem>>, vector<16xf32>,
        %mul3A_395 = vector.broadcast %reduce_sum3A_179 : f32 to vector<16xf32>
        %mul3A_396 = arith.mulf %mul3A_395, %get3A_394 : vector<16xf32>
        %get3A_397 = arith.constant 1 : i32
        %get3A_398 = arith.index_cast %get3A_397 : i32 to index
        %get3A_399 = arith.index_cast %mul3A_390 : i32 to index
        %get3A_400 = tpu.vector_load %arg14[%get3A_398, %get3A_399] {strides = array<i32>} : memref<8x4096xf32, #tpu.memory_space<vmem>>, vector<16xf32>,
        %mul3A_401 = vector.broadcast %reduce_sum3A_189 : f32 to vector<16xf32>
        %mul3A_402 = arith.mulf %mul3A_401, %get3A_400 : vector<16xf32>
        %get3A_403 = arith.constant 2 : i32
        %get3A_404 = arith.index_cast %get3A_403 : i32 to index
        %get3A_405 = arith.index_cast %mul3A_390 : i32 to index
        %get3A_406 = tpu.vector_load %arg14[%get3A_404, %get3A_405] {strides = array<i32>} : memref<8x4096xf32, #tpu.memory_space<vmem>>, vector<16xf32>,
        %mul3A_407 = vector.broadcast %reduce_sum3A_199 : f32 to vector<16xf32>
        %mul3A_408 = arith.mulf %mul3A_407, %get3A_406 : vector<16xf32>
        %get3A_409 = arith.constant 3 : i32
        %get3A_410 = arith.index_cast %get3A_409 : i32 to index
        %get3A_411 = arith.index_cast %mul3A_390 : i32 to index
        %get3A_412 = tpu.vector_load %arg14[%get3A_410, %get3A_411] {strides = array<i32>} : memref<8x4096xf32, #tpu.memory_space<vmem>>, vector<16xf32>,
        %mul3A_413 = vector.broadcast %reduce_sum3A_209 : f32 to vector<16xf32>
        %mul3A_414 = arith.mulf %mul3A_413, %get3A_412 : vector<16xf32>
        %get3A_415 = arith.constant 4 : i32
        %get3A_416 = arith.index_cast %get3A_415 : i32 to index
        %get3A_417 = arith.index_cast %mul3A_390 : i32 to index
        %get3A_418 = tpu.vector_load %arg14[%get3A_416, %get3A_417] {strides = array<i32>} : memref<8x4096xf32, #tpu.memory_space<vmem>>, vector<16xf32>,
        %mul3A_419 = vector.broadcast %reduce_sum3A_219 : f32 to vector<16xf32>
        %mul3A_420 = arith.mulf %mul3A_419, %get3A_418 : vector<16xf32>
        %get3A_421 = arith.constant 5 : i32
        %get3A_422 = arith.index_cast %get3A_421 : i32 to index
        %get3A_423 = arith.index_cast %mul3A_390 : i32 to index
        %get3A_424 = tpu.vector_load %arg14[%get3A_422, %get3A_423] {strides = array<i32>} : memref<8x4096xf32, #tpu.memory_space<vmem>>, vector<16xf32>,
        %mul3A_425 = vector.broadcast %reduce_sum3A_229 : f32 to vector<16xf32>
        %mul3A_426 = arith.mulf %mul3A_425, %get3A_424 : vector<16xf32>
        %get3A_427 = arith.constant 6 : i32
        %get3A_428 = arith.index_cast %get3A_427 : i32 to index
        %get3A_429 = arith.index_cast %mul3A_390 : i32 to index
        %get3A_430 = tpu.vector_load %arg14[%get3A_428, %get3A_429] {strides = array<i32>} : memref<8x4096xf32, #tpu.memory_space<vmem>>, vector<16xf32>,
        %mul3A_431 = vector.broadcast %reduce_sum3A_239 : f32 to vector<16xf32>
        %mul3A_432 = arith.mulf %mul3A_431, %get3A_430 : vector<16xf32>
        %get3A_433 = arith.constant 7 : i32
        %get3A_434 = arith.index_cast %get3A_433 : i32 to index
        %get3A_435 = arith.index_cast %mul3A_390 : i32 to index
        %get3A_436 = tpu.vector_load %arg14[%get3A_434, %get3A_435] {strides = array<i32>} : memref<8x4096xf32, #tpu.memory_space<vmem>>, vector<16xf32>,
        %mul3A_437 = vector.broadcast %reduce_sum3A_249 : f32 to vector<16xf32>
        %mul3A_438 = arith.mulf %mul3A_437, %get3A_436 : vector<16xf32>
        %add3A_439 = arith.addf %mul3A_396, %mul3A_402 : vector<16xf32>
        %add3A_440 = arith.addf %mul3A_408, %mul3A_414 : vector<16xf32>
        %add3A_441 = arith.addf %mul3A_420, %mul3A_426 : vector<16xf32>
        %add3A_442 = arith.addf %mul3A_432, %mul3A_438 : vector<16xf32>
        %add3A_443 = arith.addf %add3A_439, %add3A_440 : vector<16xf32>
        %add3A_444 = arith.addf %add3A_441, %add3A_442 : vector<16xf32>
        %add3A_445 = arith.addf %add3A_443, %add3A_444 : vector<16xf32>
        %get3A_446 = arith.index_cast %mul3A_390 : i32 to index
        %get3A_447 = tpu.vector_load %arg12[%get3A_446] {strides = array<i32>} : memref<4096xf32, #tpu.memory_space<vmem>>, vector<16xf32>,
        %add3A_448 = arith.addf %get3A_447, %add3A_445 : vector<16xf32>
        %swap3A_449 = arith.index_cast %mul3A_390 : i32 to index
        %swap3A_450 = tpu.vector_load %arg12[%swap3A_449] {strides = array<i32>} : memref<4096xf32, #tpu.memory_space<vmem>>, vector<16xf32>,
        tpu.vector_store %arg12[%swap3A_449], %add3A_448 {strides = array<i32>} : memref<4096xf32, #tpu.memory_space<vmem>>, vector<16xf32>,
        %add3A_451 = arith.constant 3 : i32
        %add3A_452 = arith.addi %add3A_259, %add3A_451 : i32
        %mul3A_453 = arith.constant 16 : i32
        %mul3A_454 = arith.muli %add3A_452, %mul3A_453 : i32
        %get3A_455 = arith.constant 0 : i32
        %get3A_456 = arith.index_cast %get3A_455 : i32 to index
        %get3A_457 = arith.index_cast %mul3A_454 : i32 to index
        %get3A_458 = tpu.vector_load %arg14[%get3A_456, %get3A_457] {strides = array<i32>} : memref<8x4096xf32, #tpu.memory_space<vmem>>, vector<16xf32>,
        %mul3A_459 = vector.broadcast %reduce_sum3A_179 : f32 to vector<16xf32>
        %mul3A_460 = arith.mulf %mul3A_459, %get3A_458 : vector<16xf32>
        %get3A_461 = arith.constant 1 : i32
        %get3A_462 = arith.index_cast %get3A_461 : i32 to index
        %get3A_463 = arith.index_cast %mul3A_454 : i32 to index
        %get3A_464 = tpu.vector_load %arg14[%get3A_462, %get3A_463] {strides = array<i32>} : memref<8x4096xf32, #tpu.memory_space<vmem>>, vector<16xf32>,
        %mul3A_465 = vector.broadcast %reduce_sum3A_189 : f32 to vector<16xf32>
        %mul3A_466 = arith.mulf %mul3A_465, %get3A_464 : vector<16xf32>
        %get3A_467 = arith.constant 2 : i32
        %get3A_468 = arith.index_cast %get3A_467 : i32 to index
        %get3A_469 = arith.index_cast %mul3A_454 : i32 to index
        %get3A_470 = tpu.vector_load %arg14[%get3A_468, %get3A_469] {strides = array<i32>} : memref<8x4096xf32, #tpu.memory_space<vmem>>, vector<16xf32>,
        %mul3A_471 = vector.broadcast %reduce_sum3A_199 : f32 to vector<16xf32>
        %mul3A_472 = arith.mulf %mul3A_471, %get3A_470 : vector<16xf32>
        %get3A_473 = arith.constant 3 : i32
        %get3A_474 = arith.index_cast %get3A_473 : i32 to index
        %get3A_475 = arith.index_cast %mul3A_454 : i32 to index
        %get3A_476 = tpu.vector_load %arg14[%get3A_474, %get3A_475] {strides = array<i32>} : memref<8x4096xf32, #tpu.memory_space<vmem>>, vector<16xf32>,
        %mul3A_477 = vector.broadcast %reduce_sum3A_209 : f32 to vector<16xf32>
        %mul3A_478 = arith.mulf %mul3A_477, %get3A_476 : vector<16xf32>
        %get3A_479 = arith.constant 4 : i32
        %get3A_480 = arith.index_cast %get3A_479 : i32 to index
        %get3A_481 = arith.index_cast %mul3A_454 : i32 to index
        %get3A_482 = tpu.vector_load %arg14[%get3A_480, %get3A_481] {strides = array<i32>} : memref<8x4096xf32, #tpu.memory_space<vmem>>, vector<16xf32>,
        %mul3A_483 = vector.broadcast %reduce_sum3A_219 : f32 to vector<16xf32>
        %mul3A_484 = arith.mulf %mul3A_483, %get3A_482 : vector<16xf32>
        %get3A_485 = arith.constant 5 : i32
        %get3A_486 = arith.index_cast %get3A_485 : i32 to index
        %get3A_487 = arith.index_cast %mul3A_454 : i32 to index
        %get3A_488 = tpu.vector_load %arg14[%get3A_486, %get3A_487] {strides = array<i32>} : memref<8x4096xf32, #tpu.memory_space<vmem>>, vector<16xf32>,
        %mul3A_489 = vector.broadcast %reduce_sum3A_229 : f32 to vector<16xf32>
        %mul3A_490 = arith.mulf %mul3A_489, %get3A_488 : vector<16xf32>
        %get3A_491 = arith.constant 6 : i32
        %get3A_492 = arith.index_cast %get3A_491 : i32 to index
        %get3A_493 = arith.index_cast %mul3A_454 : i32 to index
        %get3A_494 = tpu.vector_load %arg14[%get3A_492, %get3A_493] {strides = array<i32>} : memref<8x4096xf32, #tpu.memory_space<vmem>>, vector<16xf32>,
        %mul3A_495 = vector.broadcast %reduce_sum3A_239 : f32 to vector<16xf32>
        %mul3A_496 = arith.mulf %mul3A_495, %get3A_494 : vector<16xf32>
        %get3A_497 = arith.constant 7 : i32
        %get3A_498 = arith.index_cast %get3A_497 : i32 to index
        %get3A_499 = arith.index_cast %mul3A_454 : i32 to index
        %get3A_500 = tpu.vector_load %arg14[%get3A_498, %get3A_499] {strides = array<i32>} : memref<8x4096xf32, #tpu.memory_space<vmem>>, vector<16xf32>,
        %mul3A_501 = vector.broadcast %reduce_sum3A_249 : f32 to vector<16xf32>
        %mul3A_502 = arith.mulf %mul3A_501, %get3A_500 : vector<16xf32>
        %add3A_503 = arith.addf %mul3A_460, %mul3A_466 : vector<16xf32>
        %add3A_504 = arith.addf %mul3A_472, %mul3A_478 : vector<16xf32>
        %add3A_505 = arith.addf %mul3A_484, %mul3A_490 : vector<16xf32>
        %add3A_506 = arith.addf %mul3A_496, %mul3A_502 : vector<16xf32>
        %add3A_507 = arith.addf %add3A_503, %add3A_504 : vector<16xf32>
        %add3A_508 = arith.addf %add3A_505, %add3A_506 : vector<16xf32>
        %add3A_509 = arith.addf %add3A_507, %add3A_508 : vector<16xf32>
        %get3A_510 = arith.index_cast %mul3A_454 : i32 to index
        %get3A_511 = tpu.vector_load %arg12[%get3A_510] {strides = array<i32>} : memref<4096xf32, #tpu.memory_space<vmem>>, vector<16xf32>,
        %add3A_512 = arith.addf %get3A_511, %add3A_509 : vector<16xf32>
        %swap3A_513 = arith.index_cast %mul3A_454 : i32 to index
        %swap3A_514 = tpu.vector_load %arg12[%swap3A_513] {strides = array<i32>} : memref<4096xf32, #tpu.memory_space<vmem>>, vector<16xf32>,
        tpu.vector_store %arg12[%swap3A_513], %add3A_512 {strides = array<i32>} : memref<4096xf32, #tpu.memory_space<vmem>>, vector<16xf32>,
      }
      %scan3A_254 = arith.constant 64 : i32
    }
    "tpu.region"() ({
      %run_scoped3A = tpu.sem_alloc : memref<!tpu.dma_semaphore, #tpu.memory_space<semaphore_mem>>
      %dma_start3A = arith.constant 0 : i32
      %dma_start3A_54 = tpu.memref_slice %arg6[%add3A, %dma_start3A] : memref<32x4096xf32, #tpu.memory_space<hbm>> -> memref<1x4096xf32, #tpu.memory_space<hbm>>
      %dma_start3A_55 = tpu.memref_squeeze %dma_start3A_54 : memref<1x4096xf32, #tpu.memory_space<hbm>> -> memref<4096xf32, #tpu.memory_space<hbm>>
      %dma_start3A_56 = arith.constant 0 : i32
      %dma_start3A_57 = tpu.memref_slice %arg6[%add3A, %dma_start3A_56] : memref<32x4096xf32, #tpu.memory_space<hbm>> -> memref<1x4096xf32, #tpu.memory_space<hbm>>
      %dma_start3A_58 = tpu.memref_squeeze %dma_start3A_57 : memref<1x4096xf32, #tpu.memory_space<hbm>> -> memref<4096xf32, #tpu.memory_space<hbm>>
      tpu.enqueue_dma source(%arg12 : memref<4096xf32, #tpu.memory_space<vmem>>) target(%dma_start3A_58 : memref<4096xf32, #tpu.memory_space<hbm>>) target_semaphore(%run_scoped3A : memref<!tpu.dma_semaphore, #tpu.memory_space<semaphore_mem>>)
      %dma_wait3A = arith.constant 0 : i32
      %dma_wait3A_59 = tpu.memref_slice %arg6[%add3A, %dma_wait3A] : memref<32x4096xf32, #tpu.memory_space<hbm>> -> memref<1x4096xf32, #tpu.memory_space<hbm>>
      %dma_wait3A_60 = tpu.memref_squeeze %dma_wait3A_59 : memref<1x4096xf32, #tpu.memory_space<hbm>> -> memref<4096xf32, #tpu.memory_space<hbm>>
      %dma_wait3A_61 = arith.constant 0 : i32
      %dma_wait3A_62 = tpu.memref_slice %arg6[%add3A, %dma_wait3A_61] : memref<32x4096xf32, #tpu.memory_space<hbm>> -> memref<1x4096xf32, #tpu.memory_space<hbm>>
      %dma_wait3A_63 = tpu.memref_squeeze %dma_wait3A_62 : memref<1x4096xf32, #tpu.memory_space<hbm>> -> memref<4096xf32, #tpu.memory_space<hbm>>
      tpu.wait_dma2 semaphore(%run_scoped3A : memref<!tpu.dma_semaphore, #tpu.memory_space<semaphore_mem>>) src(%arg12 : memref<4096xf32, #tpu.memory_space<vmem>>) dst(%dma_wait3A_63 : memref<4096xf32, #tpu.memory_space<hbm>>)
      tpu.yield
    }) : () -> ()
    return
  }
}

module attributes {stable_mosaic.version = 14 : i64} {
  func.func @_tc_body(%arg0: i32, %arg1: memref<1xf32, #tpu.memory_space<smem>>, %arg2: memref<1x768xf32, #tpu.memory_space<vmem>>, %arg3: memref<1x768xf32, #tpu.memory_space<vmem>>, %arg4: memref<1x4096xf32, #tpu.memory_space<vmem>>, %arg5: memref<768x4096xf32, #tpu.memory_space<vmem>>, %arg6: memref<1x4096xf32, #tpu.memory_space<vmem>>) attributes {dimension_semantics = [#tpu.dimension_semantics<arbitrary>], iteration_bounds = array<i64: 9>, scalar_prefetch = 0 : i64, scratch_operands = 0 : i64, tpu.core_type = #tpu.core_type<tc>, window_params = [{transform_indices = @transform_0, window_bounds = array<i64: 1>}, {transform_indices = @transform_1, window_bounds = array<i64: 1, 768>}, {transform_indices = @transform_2, window_bounds = array<i64: 1, 768>}, {pipeline_mode = #tpu.pipeline_mode<synchronous>, transform_indices = @transform_3, window_bounds = array<i64: 1, 4096>}, {transform_indices = @transform_4, window_bounds = array<i64: 768, 4096>}, {pipeline_mode = #tpu.pipeline_mode<synchronous>, transform_indices = @transform_5, window_bounds = array<i64: 1, 4096>}]} {
    %get3A = arith.constant 0 : index
    %get3A_0 = arith.constant 0 : index
    %get3A_1 = vector.load %arg2[%get3A, %get3A_0] : memref<1x768xf32, #tpu.memory_space<vmem>>, vector<1x768xf32>
    %abs3A = math.absf %get3A_1 : vector<1x768xf32>
    %get3A_2 = arith.constant 0 : index
    %get3A_3 = arith.constant 0 : index
    %get3A_4 = vector.load %arg3[%get3A_2, %get3A_3] : memref<1x768xf32, #tpu.memory_space<vmem>>, vector<1x768xf32>
    %mul3A = arith.mulf %abs3A, %get3A_4 : vector<1x768xf32>
    %get3A_5 = arith.constant 0 : index
    %get3A_6 = memref.load %arg1[%get3A_5] : memref<1xf32, #tpu.memory_space<smem>>
    %ge3A = vector.broadcast %get3A_6 : f32 to vector<1x768xf32>
    %ge3A_7 = arith.cmpf oge, %mul3A, %ge3A : vector<1x768xf32>
    %jit3A = arith.constant 0.000000e+00 : f32
    %broadcast_in_dim3A = vector.broadcast %jit3A : f32 to vector<1x768xf32>
    %select_n3A = arith.select %ge3A_7, %get3A_1, %broadcast_in_dim3A : vector<1x768xi1>, vector<1x768xf32>
    %reshape3A = vector.shape_cast %select_n3A : vector<1x768xf32> to vector<768x1xf32>
    %get3A_8 = arith.constant 0 : index
    %get3A_9 = arith.constant 0 : index
    %get3A_10 = vector.load %arg5[%get3A_8, %get3A_9] : memref<768x4096xf32, #tpu.memory_space<vmem>>, vector<768x4096xf32>
    %mul3A_11 = vector.broadcast %reshape3A : vector<768x1xf32> to vector<768x4096xf32>
    %mul3A_12 = arith.mulf %get3A_10, %mul3A_11 : vector<768x4096xf32>
    %reduce_sum3A = arith.constant dense<0.000000e+00> : vector<4096xf32>
    %reduce_sum3A_13 = vector.multi_reduction <add>, %mul3A_12, %reduce_sum3A [0] : vector<768x4096xf32> to vector<4096xf32>
    %broadcast_in_dim3A_14 = vector.shape_cast %reduce_sum3A_13 : vector<4096xf32> to vector<1x4096xf32>
    %eq3A = arith.constant 0 : i32
    %eq3A_15 = arith.cmpi eq, %arg0, %eq3A : i32
    %convert_element_type3A = arith.extui %eq3A_15 : i1 to i32
    %cond3A = arith.constant 0 : i32
    %cond3A_16 = arith.cmpi ne, %convert_element_type3A, %cond3A : i32
    scf.if %cond3A_16 {
      %get3A_21 = arith.constant 0 : index
      %get3A_22 = arith.constant 0 : index
      %get3A_23 = vector.load %arg4[%get3A_21, %get3A_22] : memref<1x4096xf32, #tpu.memory_space<vmem>>, vector<1x4096xf32>
      %add3A = arith.addf %get3A_23, %broadcast_in_dim3A_14 : vector<1x4096xf32>
      %swap3A = arith.constant 0 : index
      %swap3A_24 = arith.constant 0 : index
      %swap3A_25 = vector.load %arg6[%swap3A, %swap3A_24] : memref<1x4096xf32, #tpu.memory_space<vmem>>, vector<1x4096xf32>
      tpu.vector_store %arg6[%swap3A, %swap3A_24], %add3A {strides = array<i32>} : memref<1x4096xf32, #tpu.memory_space<vmem>>, vector<1x4096xf32>,
    } else {
    }
    %gt3A = arith.constant 0 : i32
    %gt3A_17 = arith.cmpi sgt, %arg0, %gt3A : i32
    %convert_element_type3A_18 = arith.extui %gt3A_17 : i1 to i32
    %cond3A_19 = arith.constant 0 : i32
    %cond3A_20 = arith.cmpi ne, %convert_element_type3A_18, %cond3A_19 : i32
    scf.if %cond3A_20 {
      %get3A_21 = arith.constant 0 : index
      %get3A_22 = arith.constant 0 : index
      %get3A_23 = vector.load %arg6[%get3A_21, %get3A_22] : memref<1x4096xf32, #tpu.memory_space<vmem>>, vector<1x4096xf32>
      %add3A = arith.addf %get3A_23, %broadcast_in_dim3A_14 : vector<1x4096xf32>
      %swap3A = arith.constant 0 : index
      %swap3A_24 = arith.constant 0 : index
      %swap3A_25 = vector.load %arg6[%swap3A, %swap3A_24] : memref<1x4096xf32, #tpu.memory_space<vmem>>, vector<1x4096xf32>
      tpu.vector_store %arg6[%swap3A, %swap3A_24], %add3A {strides = array<i32>} : memref<1x4096xf32, #tpu.memory_space<vmem>>, vector<1x4096xf32>,
    } else {
    }
    return
  }
  func.func @transform_0(%arg0: i32) -> i32 {
    %c0_i32 = arith.constant 0 : i32
    %c0_i32_0 = arith.constant 0 : i32
    return %c0_i32 : i32
  }
  func.func @transform_1(%arg0: i32) -> (i32, i32) {
    %c0_i32 = arith.constant 0 : i32
    %c0_i32_0 = arith.constant 0 : i32
    return %c0_i32, %arg0 : i32, i32
  }
  func.func @transform_2(%arg0: i32) -> (i32, i32) {
    %c0_i32 = arith.constant 0 : i32
    %c0_i32_0 = arith.constant 0 : i32
    return %c0_i32, %arg0 : i32, i32
  }
  func.func @transform_3(%arg0: i32) -> (i32, i32) {
    %c0_i32 = arith.constant 0 : i32
    %c0_i32_0 = arith.constant 0 : i32
    %c0_i32_1 = arith.constant 0 : i32
    return %c0_i32, %c0_i32_0 : i32, i32
  }
  func.func @transform_4(%arg0: i32) -> (i32, i32) {
    %c0_i32 = arith.constant 0 : i32
    %c0_i32_0 = arith.constant 0 : i32
    return %arg0, %c0_i32 : i32, i32
  }
  func.func @transform_5(%arg0: i32) -> (i32, i32) {
    %c0_i32 = arith.constant 0 : i32
    %c0_i32_0 = arith.constant 0 : i32
    %c0_i32_1 = arith.constant 0 : i32
    return %c0_i32, %c0_i32_0 : i32, i32
  }
}

module attributes {stable_mosaic.version = 14 : i64} {
  func.func @_combine_body(%arg0: memref<1x4096xf32, #tpu.memory_space<vmem>>, %arg1: memref<32x4096xf32, #tpu.memory_space<vmem>>, %arg2: memref<1x4096xf32, #tpu.memory_space<vmem>>) attributes {dimension_semantics = [], scalar_prefetch = 0 : i64, scratch_operands = 0 : i64, tpu.core_type = #tpu.core_type<tc>} {
    %get3A = arith.constant 0 : index
    %get3A_0 = arith.constant 0 : index
    %get3A_1 = vector.load %arg0[%get3A, %get3A_0] : memref<1x4096xf32, #tpu.memory_space<vmem>>, vector<1x4096xf32>
    %get3A_2 = arith.constant 0 : index
    %get3A_3 = arith.constant 0 : index
    %get3A_4 = vector.load %arg1[%get3A_2, %get3A_3] : memref<32x4096xf32, #tpu.memory_space<vmem>>, vector<32x4096xf32>
    %reduce_sum3A = arith.constant dense<0.000000e+00> : vector<4096xf32>
    %reduce_sum3A_5 = vector.multi_reduction <add>, %get3A_4, %reduce_sum3A [0] : vector<32x4096xf32> to vector<4096xf32>
    %broadcast_in_dim3A = vector.shape_cast %reduce_sum3A_5 : vector<4096xf32> to vector<1x4096xf32>
    %add3A = arith.addf %get3A_1, %broadcast_in_dim3A : vector<1x4096xf32>
    %swap3A = arith.constant 0 : index
    %swap3A_6 = arith.constant 0 : index
    %swap3A_7 = vector.load %arg2[%swap3A, %swap3A_6] : memref<1x4096xf32, #tpu.memory_space<vmem>>, vector<1x4096xf32>
    tpu.vector_store %arg2[%swap3A, %swap3A_6], %add3A {strides = array<i32>} : memref<1x4096xf32, #tpu.memory_space<vmem>>, vector<1x4096xf32>,
    return
  }
}

</mosaic_0001>

<sc_bundles>
// kernel: kernel.5.cloned.1.call-start
scs
__scs_entry_jumppad:
0x0: {  	(pc) =	sbr.rel $0x88, $3  }
0x1: {  	(tag) =	ssettag $0x0;
	lr =	simm.s32 $0x1  }
0x2: {  	[smem:$0x3F9C] =	sst lr;
	_ =	strace $0xD0000000  }
0x3: {  	_ = 	snop  }
0x4: {  	_ = 	snop  }
0x5: {  	_ = 	snop  }
0x6: {  	_ = 	snop  }
0x7: {  	_ = 	snop  }
__scs_overlays_trampoline_lowered:
0x8: {  	[smem:$0x3FAB] =	sst s0  }
0x9: {  	[smem:$0x3FAC] =	sst s1  }
0xa: {  	[smem:$0x3FAD] =	sst s2  }
0xb: {  	[smem:$0x3FAE] =	sst s3  }
0xc: {  	[smem:$0x3FAF] =	sst s4  }
0xd: {  	[smem:$0x3FB0] =	sst s5  }
0xe: {  	[smem:$0x3FB1] =	sst s6  }
0xf: {  	[smem:$0x3FB2] =	sst s7  }
0x10: {  	[smem:$0x3FB3] =	sst s8  }
0x11: {  	[smem:$0x3FB4] =	sst s9;
	s0 =	simm.s32 @!p0 $0x0  }
0x12: {  	s1 =	sld [smem:$0x3F9A];
	s0 =	simm.s32 @p0 $0x1  }
0x13: {  	[smem:$0x3FB5] =	sst s0;
	s0 =	simm.s32 @!p1 $0x0  }
0x14: {  	s2 =	sld [smem:$0x3F99];
	s0 =	simm.s32 @p1 $0x1  }
0x15: {  	[smem:$0x3FB6] =	sst s0;
	s0 =	simm.s32 @!p2 $0x0  }
0x16: {  	s3 =	sld [smem:$0x3FDB];
	s0 =	simm.s32 @p2 $0x1  }
0x17: {  	s4 =	simm.s32 $0x1BF5;
	[smem:$0x3FB8] =	sst s0  }
0x18: {  	s0 =	sld [smem:$0x3F9B];
	_ =	swait.ge [sflag:s4], $0x0  }
0x19: {  	s7 =	sld [smem:$0x3F9C]  }
0x1a: {  	s8 =	sadd.s32 $0xFFFFE003, lr  }
0x1b: {  	s9 =	sadd.s32 $0xFFFFFEF7, lr;
	s5 =	simm.s32 $0xFFFFFFFF;
	p2 =	slt.u32 s8, $0xFFFFF086  }
0x1c: {  	p1 =	slt.u32 s9, $0xF7A;
	s5 =	simm.s32 @!p2 $0x0  }
0x1d: {  	s5 =	simm.s32 @p1 $0x1;
	p0 =	seq.s32 s7, s2  }
0x1e: {  	s7 =	smul.u32 @!p0 $0xF7A, s2;
	p2 =	seq.s32 @!p0 s5, $0x0  }
0x1f: {  	s9 =	smul.u32 $0xF7A, s1;
	s8 =	simm.s32 @!p0 $0x1BF5;
	p2 =	por !p2, p0  }
0x20: {  	[sflag:s8] =	ssyncset.s32 @!p0 $0xFFFFF086;
	s6 =	sadd.s32 @!p0 s3, s7;
	s7 =	simm.s32 @!p0 $0x108  }
0x21: {  	s3 =	sadd.s32 s3, s9;
	s6 =	sadd.s32 @!p0 $0x88, s6;
	s7 =	simm.s32 @p2 $0x1082  }
0x22: {  	[simem:s7], [sflag:s8] =	dma.local @!p0 [hbm:s6], $0xF7A  }
0x23: {  	s9 =	sor.u32 $0xD0000000, s2;
	s6 =	simm.s32 $0x108;
	_ =	swait.ge @!p0 [sflag:s8], $0x0  }
0x24: {  	s3 =	sadd.s32 $0x88, s3;
	s6 =	simm.s32 @!p1 $0x1082;
	[sflag:s4] =	ssyncset.s32 $0xFFFFF086  }
0x25: {  	[simem:s6], [sflag:s4] =	dma.local [hbm:s3], $0xF7A  }
0x26: {  	[smem:$0x3F9C] =	sst s1;
	(tag) =	ssettag s2;
	_ =	strace s9  }
0x27: {  	s1 =	sld [smem:$0x3FAC]  }
0x28: {  	s2 =	sld [smem:$0x3FAD]  }
0x29: {  	s4 =	sld [smem:$0x3FAF]  }
0x2a: {  	p0 =	seq.s32 s5, $0x0;
	s5 =	sld [smem:$0x3FB0]  }
0x2b: {  	s6 =	sld [smem:$0x3FB1]  }
0x2c: {  	s7 =	sld [smem:$0x3FB2]  }
0x2d: {  	s3 =	simm.s32 $0x108;
	s8 =	sld [smem:$0x3FB3]  }
0x2e: {  	s3 =	simm.s32 @!p0 $0x1082;
	s9 =	sld [smem:$0x3FB4]  }
0x2f: {  	lr =	sadd.s32 s0, s3;
	s0 =	sld [smem:$0x3FAB]  }
0x30: {  	s3 =	sld [smem:$0x3FAE]  }
0x31: {  	[smem:$0x3FB7] =	sst s10  }
0x32: {  	s10 =	sld [smem:$0x3FB5];
	_ =	sdelay $0x3  }
0x33: {  	p0 =	seq.s32 s10, $0x1;
	s10 =	sld [smem:$0x3FB7];
	_ =	sdelay $0x3  }
0x34: {  	[smem:$0x3FB7] =	sst s10  }
0x35: {  	s10 =	sld [smem:$0x3FB6];
	_ =	sdelay $0x3  }
0x36: {  	p1 =	seq.s32 s10, $0x1;
	s10 =	sld [smem:$0x3FB7];
	_ =	sdelay $0x3  }
0x37: {  	[smem:$0x3FB7] =	sst s10  }
0x38: {  	s10 =	sld [smem:$0x3FB8]  }
0x39: {  	_ = 	snop;
	(pc) =	sbr.ind lr, $3  }
0x3a: {  	_ = 	snop  }
0x3b: {  	_ = 	snop  }
0x3c: {  	p2 =	seq.s32 s10, $0x1;
	s10 =	sld [smem:$0x3FB7]  }
0x3d: {  	_ =	shalt  }
0x3e: {  	_ =	shalt  }
0x3f: {  	_ =	shalt  }
0x40: {  	_ =	shalt  }
0x41: {  	_ =	shalt  }
0x42: {  	_ =	shalt  }
0x43: {  	_ =	shalt  }
0x44: {  	_ =	shalt  }
0x45: {  	_ =	shalt  }
0x46: {  	_ =	shalt  }
0x47: {  	_ =	shalt  }
0x48: {  	_ =	shalt  }
0x49: {  	_ =	shalt  }
0x4a: {  	_ =	shalt  }
0x4b: {  	_ =	shalt  }
0x4c: {  	_ =	shalt  }
0x4d: {  	_ =	shalt  }
0x4e: {  	_ =	shalt  }
0x4f: {  	_ =	shalt  }
0x50: {  	_ =	shalt  }
0x51: {  	_ =	shalt  }
0x52: {  	_ =	shalt  }
0x53: {  	_ =	shalt  }
0x54: {  	_ =	shalt  }
0x55: {  	_ =	shalt  }
0x56: {  	_ =	shalt  }
0x57: {  	_ =	shalt  }
0x58: {  	_ =	shalt  }
0x59: {  	_ =	shalt  }
0x5a: {  	_ =	shalt  }
0x5b: {  	_ =	shalt  }
0x5c: {  	_ =	shalt  }
0x5d: {  	_ =	shalt  }
0x5e: {  	_ =	shalt  }
0x5f: {  	_ =	shalt  }
0x60: {  	_ =	shalt  }
0x61: {  	_ =	shalt  }
0x62: {  	_ =	shalt  }
0x63: {  	_ =	shalt  }
0x64: {  	_ =	shalt  }
0x65: {  	_ =	shalt  }
0x66: {  	_ =	shalt  }
0x67: {  	_ =	shalt  }
0x68: {  	_ =	shalt  }
0x69: {  	_ =	shalt  }
0x6a: {  	_ =	shalt  }
0x6b: {  	_ =	shalt  }
0x6c: {  	_ =	shalt  }
0x6d: {  	_ =	shalt  }
0x6e: {  	_ =	shalt  }
0x6f: {  	_ =	shalt  }
0x70: {  	_ =	shalt  }
0x71: {  	_ =	shalt  }
0x72: {  	_ =	shalt  }
0x73: {  	_ =	shalt  }
0x74: {  	_ =	shalt  }
0x75: {  	_ =	shalt  }
0x76: {  	_ =	shalt  }
0x77: {  	_ =	shalt  }
0x78: {  	_ =	shalt  }
0x79: {  	_ =	shalt  }
0x7a: {  	_ =	shalt  }
0x7b: {  	_ =	shalt  }
0x7c: {  	_ =	shalt  }
0x7d: {  	_ =	shalt  }
0x7e: {  	_ =	shalt  }
0x7f: {  	_ =	shalt  }
0x80: {  	_ =	shalt  }
0x81: {  	_ =	shalt  }
0x82: {  	_ =	shalt  }
0x83: {  	_ =	shalt  }
0x84: {  	_ =	shalt  }
0x85: {  	_ =	shalt  }
0x86: {  	_ =	shalt  }
0x87: {  	_ =	shalt  }
.Lfunc_end0:
.L_simem_size_0:
called_computation_lowered:
.L_overlay_start_0:
0x88: {  	s2 =	sld [smem:$0x3FD9]  }
0x89: {  	s3 =	sld [smem:$0x3FFE];
	_ =	sdelay $0x1  }
0x8a: {  	s1 =	srdreg.scid  }
0x8b: {  	s0 =	sand.u32 $0x1, s1  }
0x8c: {  	s17 =	sshll.u32 s0, $0xA;
	s2 =	sadd.s32 s3, s2  }
0x8d: {  	s2 =	sadd.s32 s2, s17  }
0x8e: {  	[smem:$0x3FC3] =	sst s2  }
0x8f: {  	_ = 	snop  }
0x90: {  	s2 =	sld [smem:$0x3FC8]  }
0x91: {  	s18 =	sld [smem:$0x3FC7];
	(tm) =	ssettm $0x1  }
0x92: {  	s4 =	sld [smem:$0x3FFB];
	_ =	sdelay $0x3  }
0x93: {  	_ =	strace s4  }
0x94: {  	s4 =	sld [smem:$0x3FFC];
	_ =	sdelay $0x3  }
0x95: {  	_ =	strace s4  }
0x96: {  	s4 =	sld [smem:$0x3FFD];
	_ =	sdelay $0x3  }
0x97: {  	_ =	strace s4  }
0x98: {  	_ =	strace $0x8FFFFFFF  }
0x99: {  	s19 =	sld [smem:$0x3FDB];
	_ =	sdelay $0x1  }
0x9a: {  	s5 =	simm.s32 $_scs_section_size  }
0x9b: {  	s6 =	simm.s32 $_size__tile_overlayer_lowered;
	s7 =	simm.s32 $_tile_overlayer_lowered  }
0x9c: {  	s22 =	simm.s32 $0x1BFF;
	s21 =	sshll.u32 s7, $0x1;
	s4 =	sadd.s32 s5, s19  }
0x9d: {  	s8 =	simm.s32 $0x0;
	s20 =	sshll.u32 s6, $0x1;
	s6 =	sadd.s32 s21, s4  }
0x9e: {  	[timem:s8], [sflag:s22] =	dma.local [hbm:s6], s20  }
0x9f: {  	_ =	swait.ge [sflag:s22], s20  }
0xa0: {  	s5 =	ssub.s32 $0x0, s20;
	[sflag:s22] =	ssyncset.done $0x0  }
0xa1: {  	[sflag:s22] =	ssyncadd.s32 s5;
	_ =	sdelay $0x1  }
0xa2: {  	s23 =	simm.s32 $0x1B8B  }
0xa3: {  	_ =	swait.ge [sflag:s23], $0x1  }
0xa4: {  	[sflag:s23] =	ssyncset.done $0x0  }
0xa5: {  	s25 =	simm.s32 $0x1B8E;
	s24 =	sld [smem:$0x3FFE];
	[sflag:s23] =	ssyncadd.s32 $0xFFFFFFFF  }
0xa6: {  	s26 =	simm.s32 $execute0_lowered;
	[smem:$0x3FD2] =	sst s25  }
0xa7: {  	s6 =	sshll.u32 s26, $0x1;
	_ =	strace $0x80000046;
	[dreg:$0x1] =	wrdreg $0xFFFFFFFF  }
0xa8: {  	s28 =	simm.s32 $_size_execute0_lowered;
	s4 =	sadd.s32 s4, s6;
	[dreg:$0x0] =	wrdreg $0x0  }
0xa9: {  	s6 =	sshll.u32 s28, $0x1;
	[dreg:$0x2] =	wrdreg s4  }
0xaa: {  	[dreg:$0x3] =	wrdreg s6  }
0xab: {  	[dreg:$0x4] =	wrdreg $0xC0  }
0xac: {  	_ =	task [dreg:s8], $0x5FFFF  }
0xad: {  	[dreg:$0x1] =	wrdreg $0xFFFFFFFF  }
0xae: {  	[dreg:$0x0] =	wrdreg $0x60  }
0xaf: {  	[dreg:$0x2] =	wrdreg s24  }
0xb0: {  	[dreg:$0x3] =	wrdreg s18  }
0xb1: {  	[dreg:$0x4] =	wrdreg s2  }
0xb2: {  	[dreg:$0x5] =	wrdreg $0x9  }
0xb3: {  	_ =	task.clear_ibuf [dreg:s8], $0x6FFFF;
	_ =	strace $0x90000046  }
0xb4: {  	s29 =	simm.s32 $0x9;
	_ =	strace $0x80000048  }
0xb5: {  	_ =	swait.ge [sflag:s29], $0x1  }
0xb6: {  	[sflag:s29] =	ssyncadd.s32 $0xFFFFFFFF  }
0xb7: {  	_ =	strace $0x90000048  }
0xb8: {  	_ =	sfence  }
0xb9: {  	s30 =	sld [smem:$0x0];
	_ =	sdelay $0x2  }
0xba: {  	s31 =	sshll.u32 s1, $0xD;
	s1 =	sshrl.u32 s1, $0x2  }
0xbb: {  	s3 =	sand.u32 $0x4000, s31;
	s1 =	sadd.s32 s1, s30  }
0xbc: {  	s0 =	sor.u32 s3, s0;
	s1 =	sshll.u32 s1, $0x11  }
0xbd: {  	s0 =	sor.u32 s1, s0  }
0xbe: {  	s0 =	sadd.s32 $0x8F2B, s0  }
0xbf: {  	[sflag:s0] =	ssyncadd.remote.s32 $0x1  }
0xc0: {  	_ =	sfence.sel $0xFFFF  }
0xc1: {  	[dreg:$0x0] =	wrdreg $0xFFFFFFFF;
	(pc) =	sbr.abs _section_cstart, $3  }
0xc2: {  	[dreg:$0x1] =	wrdreg $0xFFFFFFFF  }
0xc3: {  	_ =	task.clear_ibuf [dreg:s8], $0x2FFFF;
	_ =	strace $0x9FFFFFFF  }
0xc4: {  	(tm) =	ssettm $0x7FFFFFFF  }
0xc5: {  	_ =	shalt  }
tec
execute0_lowered:
.L_overlay_start_1:
0x0: {  	(tag) =	ssettag $0x1  }
0x1: {  	s0 =	rddreg [dreg:$0x0]  }
0x2: {  	s2 =	rddreg [dreg:$0x1]  }
0x3: {  	s1 =	srdreg.scid;
	s26 =	rddreg [dreg:$0x2]  }
0x4: {  	s21 =	stileid.u32;
	s4 =	simm.s32 $0x0;
	s29 =	simm.s32 $0x180  }
0x5: {  	s30 =	simm.s32 $0x280;
	s1 =	sand.u32 $0x1, s1;
	[smem:$0x7FF] =	sst s4  }
0x6: {  	s5 =	sshll.u32 s21, $0x4;
	s8 =	sadd.s32 $0xE00, s0;
	s9 =	sadd.s32 $0x300, s26  }
0x7: {  	s10 =	sadd.s32 $0x400, s26;
	s11 =	sadd.s32 $0x500, s26;
	s12 =	sadd.s32 $0x600, s26  }
0x8: {  	s13 =	sadd.s32 $0x700, s26;
	s14 =	sadd.s32 $0x800, s26;
	s15 =	sadd.s32 $0x900, s26  }
0x9: {  	s16 =	sadd.s32 $0xA00, s26;
	s17 =	sadd.s32 $0xB00, s26;
	s18 =	sadd.s32 $0xC00, s26  }
0xa: {  	s19 =	sadd.s32 $0xD00, s26;
	s20 =	sadd.s32 $0xE00, s26;
	s25 =	sshll.u32 s21, $0x7  }
0xb: {  	s3 =	sshll.u32 s1, $0x4;
	_ =	strace $0x80000047;
	s5 =	sand.u32 $0x70, s5  }
0xc: {  	s7 =	ssub.s32 $0x2, s1;
	[dreg:$0x4] =	wrdreg s8;
	s8 =	sadd.s32 $0x200, s26  }
0xd: {  	s1 =	sshll.u32 s1, $0xB;
	s3 =	sor.u32 s21, s3;
	s23 =	sshrl.u32 s7, $0x1  }
0xe: {  	s21 =	sadd.s32 $0xF00, s26;
	s1 =	sor.u32 s25, s1;
	s22 =	sshll.u32 s3, $0x4  }
0xf: {  	s24 =	sshll.u32 s3, $0x9;
	s31 =	sadd.s32 $0x1B00, s1;
	s3 =	simm.s32 $0x80  }
0x10: {  	s1 =	simm.s32 $0x0;
	s4 =	sadd.s32 $0x360, s22;
	[dreg:$0x9] =	wrdreg s31  }
0x11: {  	v0 =	vlaneseq.u32;
	s6 =	sadd.s32 s4, s0;
	s0 =	sadd.s32 s5, s0;
	s5 =	ssub.s32 s7, s23  }
.Ltmp0:
0x12: {  	v1 =	vimm.s32 $0x0;
	v2 =	vimm.s32 $0x1B00;
	v3 =	vimm.f32 $0.0e+00;
	s2 =	sadd.s32 s2, s4;
	s7 =	sadd.s32 $0x100, s26;
	(pc) =	sbr.rel .LBB2_1-.Ltmp0, $4  }
0x13: {  	vm0 =	vmmov $0xffff;
	vm1 =	vmmov $0x1;
	vm2 =	vcmask $0x308;
	s6 =	sadd.s32 $0x800, s6;
	[dreg:$0x6] =	wrdreg s2;
	s2 =	sand.u32 $0x3000, s24  }
0x14: {  	vm3 =	vcmask $0x70C;
	vm4 =	vcmask $0xB10;
	vm5 =	vcmask $0xF14;
	s28 =	smax.u32 s5, $0x1;
	[dreg:$0x5] =	wrdreg s6;
	s0 =	sadd.s32 s2, s0  }
0x15: {  	vm6 =	vcmask $0x1318;
	vm7 =	vcmask $0x171C;
	v5 =	vshrl.u32 v0, $0x3;
	s23 =	simm.s32 $0x2;
	[dreg:$0x8] =	wrdreg s28;
	s0 =	sadd.s32 $0x1000, s0  }
0x16: {  	vm8 =	vcmask $0x1B20;
	v4 =	vand.u32 $0x7, v0;
	v5 =	vmul.u32 $0x8, v5;
	s24 =	simm.s32 $0x0;
	s2 =	simm.s32 $0x3;
	[dreg:$0x7] =	wrdreg s0  }
.LBB2_11:
0x17: {  	s0 =	rddreg [dreg:$0x7]  }
0x18: {  	s3 =	simm.s32 $0x80;
	s1 =	simm.s32 $0x400;
	s2 =	simm.s32 $0x380  }
0x19: {  	[hbm4b:s0+s3] =	stream.strided.scatter [tilespmem:s2], [sflag:$0x3], $0x1000, s1, s3, $0x38;
	[tilespmem:$0x11380] =	vst v63  }
0x1a: {  	s2 =	simm.s32 $0x3  }
0x1b: {  	_ =	swait.ge [sflag:s2], $0x1000  }
0x1c: {  	s28 =	rddreg [dreg:$0xa]  }
0x1d: {  	s31 =	rddreg [dreg:$0x8];
	s1 =	sadd.s32 $0x1, s28  }
0x1e: {  	p0 =	sne.s32 s1, s31  }
.Ltmp1:
0x1f: {  	_ = 	snop;
	(pc) =	sbr.rel @!p0 .LBB2_12-.Ltmp1, $3  }
0x20: {  	_ =	sdelay $0x1  }
0x21: {  	[sflag:s2] =	ssyncset.done $0x0  }
0x22: {  	[sflag:s2] =	ssyncadd.s32 $0xFFFFF000  }
.LBB2_1:
0x23: {  	[dreg:$0xa] =	wrdreg s1  }
0x24: {  	s6 =	simm.s32 $0x0;
	s0 =	rddreg [dreg:$0x5]  }
0x25: {  	[tilespmem:s6], [sflag:$0x3] =	stream.linear.gather [hbm4b:s0+s6], $0x80, $0x38;
	[tilespmem:$0x11380] =	vst v63  }
0x26: {  	_ =	swait.ge [sflag:s2], $0x80  }
0x27: {  	[sflag:s2] =	ssyncset.done $0x0  }
0x28: {  	s22 =	rddreg [dreg:$0x6];
	[sflag:s2] =	ssyncadd.s32 $0xFFFFFF80  }
0x29: {  	[tilespmem:s3], [sflag:$0x3] =	stream.linear.gather [hbm4b:s22+s6], $0x80, $0x38;
	[tilespmem:$0x11380] =	vst v63  }
0x2a: {  	_ =	swait.ge [sflag:s2], $0x80  }
0x2b: {  	[sflag:s2] =	ssyncset.done $0x0  }
0x2c: {  	s28 =	simm.s32 $0x100;
	s25 =	rddreg [dreg:$0x4];
	[sflag:s2] =	ssyncadd.s32 $0xFFFFFF80  }
0x2d: {  	[tilespmem:s28], [sflag:$0x3] =	stream.linear.gather [hbm4b:s25+s6], $0x80, $0x38;
	[tilespmem:$0x11380] =	vst v63  }
0x2e: {  	_ =	swait.ge [sflag:s2], $0x80  }
0x2f: {  	[sflag:s2] =	ssyncset.done $0x0  }
0x30: {  	s31 =	simm.s32 $0x0;
	[sflag:s2] =	ssyncadd.s32 $0xFFFFFF80  }
0x31: {  	v7 =	vld [tilespmem:s31+$0x0]  }
0x32: {  	v8 =	vld [tilespmem:s31+$0x80];
	_ =	sdelay $0x1  }
0x33: {  	v6 =	vld [tilespmem:$0x100];
	_ =	sdelay $0x1  }
0x34: {  	v9 =	vand.u32 $0x7FFFFFFF, v7  }
0x35: {  	v8 =	vmul.f32 v8, v9;
	_ =	sdelay $0x1  }
0x36: {  	vm9 =	vge.f32 v8, v6  }
0x37: {  	v8 =	vsel vm9, $0x1, v1  }
0x38: {  	(xrf0) =	vadd.scan.msk.s32 $0xffff, v8;
	_ =	sdelay $0x2  }
0x39: {  	v8 =	vmov s6  }
0x3a: {  	v8 =	vadd.s32 $0xFFFFFFFF, v8  }
0x3b: {  	v8 =	vbroadcast v8, $0x0  }
0x3c: {  	v63, _, _ =	vpop (xrf0)  }
0x3d: {  	v8 =	vadd.s32 v8, v63;
	(v2sf) =	vpush v63, $0xF;
	_ =	sdelay $0x2  }
0x3e: {  	s0 =	rddreg [dreg:$0x9]  }
0x3f: {  	v10 =	vor.u32 s0, v0  }
0x40: {  	[tilespmem:v8+s29+$0x0] =	vst.idx.msk vm9, v10  }
0x41: {  	s1 =	simm.s32 $0x0;
	s3 =	simm.s32 $0x10;
	s2 =	simm.s32 $0x80;
	[tilespmem:v8+s30+$0x0] =	vst.idx.msk vm9, v7  }
.LBB2_2:
0x42: {  	p0 =	sne.s32 s2, $0x1C0;
	v7 =	vld [tilespmem:s3+$0x0]  }
0x43: {  	v8 =	vld [tilespmem:s3+$0x80];
	_ =	sdelay $0x3  }
0x44: {  	v9 =	vand.u32 $0x7FFFFFFF, v7  }
0x45: {  	v8 =	vmul.f32 v8, v9;
	_ =	sdelay $0x1  }
0x46: {  	vm9 =	vge.f32 v8, v6;
	s3 =	spop (v2sf)  }
0x47: {  	v8 =	vsel vm9, $0x1, v1;
	s1 =	sadd.s32 s1, s3  }
0x48: {  	v9 =	vmov s1;
	(xrf0) =	vadd.scan.msk.s32 $0xffff, v8  }
0x49: {  	v8 =	vadd.s32 $0xFFFFFFFF, v9  }
0x4a: {  	v8 =	vbroadcast v8, $0x0;
	_ =	sdelay $0x3  }
0x4b: {  	v9, _, _ =	vpop (xrf0)  }
0x4c: {  	v8 =	vadd.s32 v8, v9;
	(v2sf) =	vpush v9, $0xF;
	_ =	sdelay $0x1  }
.Ltmp2:
0x4d: {  	(pc) =	sbr.rel @p0 .LBB2_2-.Ltmp2, $4  }
0x4e: {  	s0 =	sadd.s32 $0x10, s0  }
0x4f: {  	v9 =	vor.u32 s0, v0  }
0x50: {  	[tilespmem:v8+s29+$0x0] =	vst.idx.msk vm9, v9  }
0x51: {  	s3 =	sshra.s32 s2, $0x2;
	s2 =	sadd.s32 $0x40, s2;
	[tilespmem:v8+s30+$0x0] =	vst.idx.msk vm9, v7  }
0x52: {  	v7 =	vld [tilespmem:s3+$0x0]  }
0x53: {  	v8 =	vld [tilespmem:s3+$0x80];
	_ =	sdelay $0x3  }
0x54: {  	v9 =	vand.u32 $0x7FFFFFFF, v7  }
0x55: {  	v8 =	vmul.f32 v8, v9;
	_ =	sdelay $0x1  }
0x56: {  	vm9 =	vge.f32 v8, v6  }
0x57: {  	v6 =	vsel vm9, $0x1, v1  }
0x58: {  	(xrf0) =	vadd.scan.msk.s32 $0xffff, v6;
	_ =	sdelay $0x5  }
0x59: {  	v6, _, _ =	vpop (xrf0)  }
0x5a: {  	(v2sf) =	vpush v6, $0xF;
	_ =	sdelay $0xa  }
0x5b: {  	s2 =	spop (v2sf)  }
0x5c: {  	s1 =	sadd.s32 s1, s2  }
0x5d: {  	v61 =	vmov s1  }
0x5e: {  	v8 =	vadd.s32 $0xFFFFFFFF, v61  }
0x5f: {  	v8 =	vbroadcast v8, $0x0;
	s31 =	spop (v2sf)  }
0x60: {  	s1 =	sadd.s32 s1, s31  }
0x61: {  	v6 =	vadd.s32 v8, v6;
	v62 =	vadd.s32 s1, v0  }
0x62: {  	vm10 =	vlt.s32 v62, $0x90;
	_ =	sdelay $0x1  }
0x63: {  	s0 =	sadd.s32 $0x10, s0  }
0x64: {  	v63 =	vor.u32 s0, v0  }
0x65: {  	[tilespmem:v6+s29+$0x0] =	vst.idx.msk vm9, v63  }
0x66: {  	[tilespmem:v6+s30+$0x0] =	vst.idx.msk vm9, v7  }
0x67: {  	[tilespmem:v62+s29+$0x0] =	vst.idx.msk vm10, v2  }
0x68: {  	s0 =	simm.s32 $0x40;
	s2 =	simm.s32 $0x0;
	[tilespmem:v62+s30+$0x0] =	vst.idx.msk vm10, v3  }
.LBB2_4:
0x69: {  	p0 =	seq.s32 s0, $0x3FC0;
	[tilespmem:s2+$0x380] =	vst v3;
	s2 =	smov.u32 s0;
	s0 =	sadd.s32 $0x40, s0  }
.Ltmp3:
0x6a: {  	(pc) =	sbr.rel @!p0 .LBB2_4-.Ltmp3, $2  }
0x6b: {  	_ =	sdelay $0x2  }
0x6c: {  	s2 =	sshra.s32 s2, $0x2  }
0x6d: {  	p0 =	sgt.s32 s1, $0x1  }
0x6e: {  	s1 =	simm.s32 @!p0 $0x1  }
0x6f: {  	s0 =	sadd.s32 $0xF, s1  }
0x70: {  	s1 =	sand.u32 $0xF, s0  }
0x71: {  	s28 =	sshra.s32 s0, $0x1F;
	p6 =	slt.s32 s0, $0x0;
	p1 =	sne.s32 s1, $0x0  }
0x72: {  	s31 =	sshrl.u32 s28, $0x1C;
	p0 =	por !p6, !p1  }
0x73: {  	s1 =	simm.s32 $0x1;
	s0 =	sadd.s32 s31, s0;
	p0 =	por !p0, !p0  }
0x74: {  	s0 =	sshra.s32 s0, $0x4;
	s1 =	simm.s32 @!p0 $0x0  }
0x75: {  	s0 =	ssub.s32 s0, s1  }
0x76: {  	p0 =	sgt.s32 s0, $0x0  }
.Ltmp4:
0x77: {  	_ = 	snop;
	(pc) =	sbr.rel @!p0 .LBB2_11-.Ltmp4, $2  }
0x78: {  	_ =	sdelay $0x2  }
0x79: {  	[tilespmem:s2+$0x380] =	vst v3;
	s25 =	simm.s32 $0x0;
	[dreg:$0xb] =	wrdreg s0  }
.LBB2_6:
0x7a: {  	s0 =	sshll.u32 s25, $0x4  }
0x7b: {  	v6 =	vld.msk [tilespmem:s0+$0x180], $0xff;
	_ =	sdelay $0x4  }
0x7c: {  	v7 =	vshll.u32 v6, $0x5  }
0x7d: {  	v6 =	vand.u32 $0x7, v6;
	v7 =	vand.u32 $0xFFFFFF00, v7  }
0x7e: {  	v6 =	vor.u32 v6, v7  }
0x7f: {  	v6 =	vperm.xlane v6, v4;
	_ =	sdelay $0x1  }
0x80: {  	v6 =	vadd.s32 v5, v6;
	_ =	sdelay $0x3  }
0x81: {  	s1 =	simm.s32 $0x1380  }
0x82: {  	[tilespmem:s1], [sflag:$0x1] =	stream.indirect_vreg.gather [hbm4b:s26+s24], $0x80, v6, vm0, $0xb8;
	[tilespmem:$0x11380] =	vst v63  }
0x83: {  	s2 =	simm.s32 $0x1B80  }
0x84: {  	[tilespmem:s2], [sflag:$0x1] =	stream.indirect_vreg.gather [hbm4b:s7+s24], $0x80, v6, vm0, $0xb8;
	[tilespmem:$0x11380] =	vst v63  }
0x85: {  	s3 =	simm.s32 $0x2380  }
0x86: {  	[tilespmem:s3], [sflag:$0x1] =	stream.indirect_vreg.gather [hbm4b:s8+s24], $0x80, v6, vm0, $0xb8;
	[tilespmem:$0x11380] =	vst v63  }
0x87: {  	s4 =	simm.s32 $0x2B80  }
0x88: {  	[tilespmem:s4], [sflag:$0x1] =	stream.indirect_vreg.gather [hbm4b:s9+s24], $0x80, v6, vm0, $0xb8;
	[tilespmem:$0x11380] =	vst v63  }
0x89: {  	s5 =	simm.s32 $0x3380  }
0x8a: {  	[tilespmem:s5], [sflag:$0x1] =	stream.indirect_vreg.gather [hbm4b:s10+s24], $0x80, v6, vm0, $0xb8;
	[tilespmem:$0x11380] =	vst v63  }
0x8b: {  	s6 =	simm.s32 $0x3B80  }
0x8c: {  	[tilespmem:s6], [sflag:$0x1] =	stream.indirect_vreg.gather [hbm4b:s11+s24], $0x80, v6, vm0, $0xb8;
	[tilespmem:$0x11380] =	vst v63  }
0x8d: {  	s22 =	simm.s32 $0x4380  }
0x8e: {  	[tilespmem:s22], [sflag:$0x1] =	stream.indirect_vreg.gather [hbm4b:s12+s24], $0x80, v6, vm0, $0xb8;
	[tilespmem:$0x11380] =	vst v63  }
0x8f: {  	s31 =	smov.u32 s26;
	s26 =	simm.s32 $0x4B80  }
0x90: {  	[tilespmem:s26], [sflag:$0x1] =	stream.indirect_vreg.gather [hbm4b:s13+s24], $0x80, v6, vm0, $0xb8;
	[tilespmem:$0x11380] =	vst v63  }
0x91: {  	s2 =	simm.s32 $0x5380  }
0x92: {  	[tilespmem:s2], [sflag:$0x1] =	stream.indirect_vreg.gather [hbm4b:s14+s24], $0x80, v6, vm0, $0xb8;
	[tilespmem:$0x11380] =	vst v63  }
0x93: {  	s3 =	simm.s32 $0x5B80  }
0x94: {  	[tilespmem:s3], [sflag:$0x1] =	stream.indirect_vreg.gather [hbm4b:s15+s24], $0x80, v6, vm0, $0xb8;
	[tilespmem:$0x11380] =	vst v63  }
0x95: {  	s4 =	simm.s32 $0x6380  }
0x96: {  	[tilespmem:s4], [sflag:$0x1] =	stream.indirect_vreg.gather [hbm4b:s16+s24], $0x80, v6, vm0, $0xb8;
	[tilespmem:$0x11380] =	vst v63  }
0x97: {  	s5 =	simm.s32 $0x6B80  }
0x98: {  	[tilespmem:s5], [sflag:$0x1] =	stream.indirect_vreg.gather [hbm4b:s17+s24], $0x80, v6, vm0, $0xb8;
	[tilespmem:$0x11380] =	vst v63  }
0x99: {  	s6 =	simm.s32 $0x7380  }
0x9a: {  	[tilespmem:s6], [sflag:$0x1] =	stream.indirect_vreg.gather [hbm4b:s18+s24], $0x80, v6, vm0, $0xb8;
	[tilespmem:$0x11380] =	vst v63  }
0x9b: {  	s22 =	simm.s32 $0x7B80  }
0x9c: {  	[tilespmem:s22], [sflag:$0x1] =	stream.indirect_vreg.gather [hbm4b:s19+s24], $0x80, v6, vm0, $0xb8;
	[tilespmem:$0x11380] =	vst v63  }
0x9d: {  	s26 =	simm.s32 $0x8380  }
0x9e: {  	[tilespmem:s26], [sflag:$0x1] =	stream.indirect_vreg.gather [hbm4b:s20+s24], $0x80, v6, vm0, $0xb8;
	[tilespmem:$0x11380] =	vst v63  }
0x9f: {  	s2 =	simm.s32 $0x8B80;
	s3 =	simm.s32 $0x1  }
0xa0: {  	[tilespmem:s2], [sflag:$0x1] =	stream.indirect_vreg.gather [hbm4b:s21+s24], $0x80, v6, vm0, $0xb8;
	[tilespmem:$0x11380] =	vst v63  }
0xa1: {  	_ =	swait.ge [sflag:s3], $0x8000  }
0xa2: {  	[sflag:s3] =	ssyncset.done $0x0  }
0xa3: {  	[sflag:s3] =	ssyncadd.s32 $0xFFFF8000  }
0xa4: {  	v6 =	vld [tilespmem:s0+$0x280];
	_ =	sdelay $0x4  }
0xa5: {  	v7 =	vnsel vm1, $0x0, v6  }
0xa6: {  	(xrf2) =	vadd.scan.msk.f32 $0xffff, v7;
	v7 =	vsel vm2, $0x0, v6  }
0xa7: {  	(xrf2) =	vadd.scan.msk.f32 $0xffff, v7;
	v7 =	vsel vm3, $0x0, v6  }
0xa8: {  	(xrf2) =	vadd.scan.msk.f32 $0xffff, v7;
	v7 =	vsel vm4, $0x0, v6  }
0xa9: {  	(xrf2) =	vadd.scan.msk.f32 $0xffff, v7;
	v7 =	vsel vm5, $0x0, v6  }
0xaa: {  	(xrf2) =	vadd.scan.msk.f32 $0xffff, v7;
	v7 =	vsel vm6, $0x0, v6  }
0xab: {  	s4 =	sand.u32 $0x7C00, s24;
	(xrf2) =	vadd.scan.msk.f32 $0xffff, v7;
	v7 =	vsel vm7, $0x0, v6  }
0xac: {  	s28 =	sadd.s32 $0x1380, s4;
	s2 =	sand.u32 $0x40, s24;
	v6 =	vsel vm8, $0x0, v6;
	(xrf2) =	vadd.scan.msk.f32 $0xffff, v7  }
0xad: {  	s1 =	sor.u32 s2, s28;
	(xrf2) =	vadd.scan.msk.f32 $0xffff, v6  }
0xae: {  	v14 =	vld [tilespmem:s1+$0x80]  }
0xaf: {  	v18 =	vld [tilespmem:s1+$0x0]  }
0xb0: {  	v15 =	vld [tilespmem:s1+$0x200];
	v6, _, _ =	vpop (xrf2)  }
0xb1: {  	v19 =	vld [tilespmem:s1+$0x100];
	v7, _, _ =	vpop (xrf2)  }
0xb2: {  	v17 =	vld [tilespmem:s1+$0x180];
	v6 =	vbroadcast v6, $0xF;
	v8, _, _ =	vpop (xrf2)  }
0xb3: {  	v16 =	vld [tilespmem:s1+$0x300];
	v7 =	vbroadcast v7, $0xF;
	v9, _, _ =	vpop (xrf2)  }
0xb4: {  	v21 =	vld [tilespmem:s1+$0x280];
	v8 =	vbroadcast v8, $0xF;
	v18 =	vmul.f32 v18, v6;
	v10, _, _ =	vpop (xrf2)  }
0xb5: {  	v20 =	vld [tilespmem:s1+$0x380];
	v9 =	vbroadcast v9, $0xF;
	v14 =	vmul.f32 v14, v7;
	v11, _, _ =	vpop (xrf2)  }
0xb6: {  	v10 =	vbroadcast v10, $0xF;
	v19 =	vmul.f32 v19, v8;
	v12, _, _ =	vpop (xrf2)  }
0xb7: {  	v11 =	vbroadcast v11, $0xF;
	v17 =	vmul.f32 v17, v9;
	v13, _, _ =	vpop (xrf2)  }
0xb8: {  	v12 =	vbroadcast v12, $0xF;
	v13 =	vbroadcast v13, $0xF  }
0xb9: {  	v15 =	vmul.f32 v15, v10;
	v21 =	vmul.f32 v21, v11  }
0xba: {  	v16 =	vmul.f32 v16, v12;
	v20 =	vmul.f32 v20, v13  }
0xbb: {  	v14 =	vadd.f32 v14, v18;
	v17 =	vadd.f32 v17, v19  }
0xbc: {  	s1 =	simm.s32 $0x380;
	v15 =	vadd.f32 v21, v15;
	v16 =	vadd.f32 v20, v16  }
0xbd: {  	v18 =	vld [tilespmem:s1+$0x0]  }
0xbe: {  	v14 =	vadd.f32 v17, v14;
	v15 =	vadd.f32 v16, v15;
	_ =	sdelay $0x1  }
0xbf: {  	v14 =	vadd.f32 v15, v14;
	_ =	sdelay $0x1  }
0xc0: {  	v14 =	vadd.f32 v14, v18  }
0xc1: {  	s3 =	sor.u32 $0x10, s2  }
0xc2: {  	s4 =	sor.u32 s3, s28;
	[tilespmem:s1+$0x0] =	vst v14  }
0xc3: {  	v14 =	vld [tilespmem:s4+$0x0]  }
0xc4: {  	v15 =	vld [tilespmem:s4+$0x380]  }
0xc5: {  	v16 =	vld [tilespmem:s4+$0x300]  }
0xc6: {  	v17 =	vld [tilespmem:s4+$0x280]  }
0xc7: {  	v18 =	vld [tilespmem:s4+$0x200]  }
0xc8: {  	v19 =	vld [tilespmem:s4+$0x180]  }
0xc9: {  	v20 =	vld [tilespmem:s4+$0x100]  }
0xca: {  	v62 =	vld [tilespmem:s4+$0x80];
	_ =	sdelay $0x1  }
0xcb: {  	v16 =	vmul.f32 v16, v12;
	v17 =	vmul.f32 v17, v11  }
0xcc: {  	v18 =	vmul.f32 v18, v10;
	v19 =	vmul.f32 v19, v9  }
0xcd: {  	v20 =	vmul.f32 v20, v8;
	v15 =	vmul.f32 v15, v13  }
0xce: {  	s5 =	sand.u32 $0xF80, s24;
	v14 =	vmul.f32 v14, v6;
	v21 =	vmul.f32 v62, v7  }
0xcf: {  	s26 =	sadd.s32 $0x380, s5;
	v17 =	vadd.f32 v17, v18;
	v18 =	vadd.f32 v19, v20  }
0xd0: {  	s3 =	sor.u32 s3, s26;
	v14 =	vadd.f32 v21, v14;
	v15 =	vadd.f32 v15, v16  }
0xd1: {  	v16 =	vld [tilespmem:s3+$0x0]  }
0xd2: {  	v14 =	vadd.f32 v18, v14;
	v15 =	vadd.f32 v15, v17;
	_ =	sdelay $0x1  }
0xd3: {  	v14 =	vadd.f32 v15, v14;
	_ =	sdelay $0x1  }
0xd4: {  	v14 =	vadd.f32 v14, v16  }
0xd5: {  	s6 =	sor.u32 $0x20, s2  }
0xd6: {  	s22 =	sor.u32 s6, s28;
	[tilespmem:s3+$0x0] =	vst v14  }
0xd7: {  	v14 =	vld [tilespmem:s22+$0x0]  }
0xd8: {  	v15 =	vld [tilespmem:s22+$0x80]  }
0xd9: {  	v16 =	vld [tilespmem:s22+$0x100]  }
0xda: {  	v17 =	vld [tilespmem:s22+$0x380]  }
0xdb: {  	v18 =	vld [tilespmem:s22+$0x300]  }
0xdc: {  	v19 =	vld [tilespmem:s22+$0x280]  }
0xdd: {  	v20 =	vld [tilespmem:s22+$0x200]  }
0xde: {  	v63 =	vld [tilespmem:s22+$0x180];
	_ =	sdelay $0x1  }
0xdf: {  	v18 =	vmul.f32 v18, v12;
	v17 =	vmul.f32 v17, v13  }
0xe0: {  	v22 =	vmul.f32 v14, v6;
	v14 =	vmul.f32 v19, v11  }
0xe1: {  	v19 =	vmul.f32 v15, v7;
	v15 =	vmul.f32 v20, v10  }
0xe2: {  	v20 =	vmul.f32 v16, v8;
	v21 =	vmul.f32 v63, v9  }
0xe3: {  	s3 =	sor.u32 s6, s26;
	v15 =	vadd.f32 v14, v15;
	v16 =	vadd.f32 v17, v18  }
0xe4: {  	s5 =	simm.s32 $0x0;
	s4 =	simm.s32 $0x40;
	s6 =	sor.u32 $0x30, s2;
	v14 =	vld [tilespmem:s3+$0x0];
	v17 =	vadd.f32 v19, v22;
	v18 =	vadd.f32 v21, v20  }
.LBB2_7:
0xe5: {  	p0 =	sne.s32 s4, $0xFC0;
	s5 =	sadd.s32 $0x200, s5;
	s1 =	sadd.s32 $0x40, s1  }
0xe6: {  	v15 =	vadd.f32 v16, v15;
	s22 =	smov.u32 s4;
	s4 =	sadd.s32 $0x40, s4;
	v17 =	vadd.f32 v18, v17;
	_ =	sdelay $0x1  }
0xe7: {  	v15 =	vadd.f32 v15, v17;
	_ =	sdelay $0x1  }
0xe8: {  	v14 =	vadd.f32 v15, v14;
	_ =	sdelay $0x1  }
0xe9: {  	s2 =	sor.u32 s6, s28;
	[tilespmem:s3+$0x0] =	vst v14  }
0xea: {  	v14 =	vld [tilespmem:s2+$0x0]  }
0xeb: {  	v15 =	vld [tilespmem:s2+$0x80]  }
0xec: {  	v16 =	vld [tilespmem:s2+$0x100]  }
0xed: {  	v17 =	vld [tilespmem:s2+$0x180]  }
0xee: {  	v18 =	vld [tilespmem:s2+$0x200]  }
0xef: {  	v19 =	vld [tilespmem:s2+$0x280]  }
0xf0: {  	v15 =	vmul.f32 v15, v7;
	v20 =	vld [tilespmem:s2+$0x300]  }
0xf1: {  	s3 =	sor.u32 s6, s26;
	v16 =	vmul.f32 v16, v8;
	v21 =	vld [tilespmem:s2+$0x380]  }
0xf2: {  	v17 =	vmul.f32 v17, v9;
	v22 =	vld [tilespmem:s3+$0x0]  }
0xf3: {  	v18 =	vmul.f32 v18, v10  }
0xf4: {  	v19 =	vmul.f32 v19, v11;
	v16 =	vadd.f32 v17, v16  }
0xf5: {  	v14 =	vmul.f32 v14, v6;
	v17 =	vmul.f32 v20, v12  }
0xf6: {  	v20 =	vmul.f32 v21, v13;
	v18 =	vadd.f32 v19, v18  }
0xf7: {  	v14 =	vadd.f32 v15, v14  }
0xf8: {  	v15 =	vadd.f32 v20, v17  }
0xf9: {  	v14 =	vadd.f32 v16, v14  }
0xfa: {  	v15 =	vadd.f32 v15, v18;
	_ =	sdelay $0x1  }
0xfb: {  	v14 =	vadd.f32 v15, v14  }
0xfc: {  	s6 =	sand.u32 $0x7C00, s5  }
0xfd: {  	s28 =	sadd.s32 $0x1380, s6;
	s2 =	sand.u32 $0x40, s22;
	v14 =	vadd.f32 v14, v22  }
0xfe: {  	s26 =	sor.u32 s2, s28;
	s6 =	sor.u32 $0x30, s2  }
0xff: {  	[tilespmem:s3+$0x0] =	vst v14  }
0x100: {  	v14 =	vld [tilespmem:s26+$0x80]  }
0x101: {  	v15 =	vld [tilespmem:s26+$0x200]  }
0x102: {  	v16 =	vld [tilespmem:s26+$0x300]  }
0x103: {  	v17 =	vld [tilespmem:s26+$0x180]  }
0x104: {  	v18 =	vld [tilespmem:s26+$0x0]  }
0x105: {  	v19 =	vld [tilespmem:s26+$0x100]  }
0x106: {  	v20 =	vld [tilespmem:s26+$0x380]  }
0x107: {  	v21 =	vld [tilespmem:s26+$0x280];
	_ =	sdelay $0x1  }
0x108: {  	v14 =	vmul.f32 v14, v7;
	v15 =	vmul.f32 v15, v10  }
0x109: {  	v16 =	vmul.f32 v16, v12;
	v17 =	vmul.f32 v17, v9  }
0x10a: {  	v19 =	vmul.f32 v19, v8;
	v20 =	vmul.f32 v20, v13  }
0x10b: {  	v18 =	vmul.f32 v18, v6;
	v21 =	vmul.f32 v21, v11  }
0x10c: {  	v17 =	vadd.f32 v17, v19;
	v16 =	vadd.f32 v20, v16  }
0x10d: {  	v14 =	vadd.f32 v14, v18;
	v15 =	vadd.f32 v21, v15;
	v18 =	vld [tilespmem:s1+$0x0];
	_ =	sdelay $0x1  }
0x10e: {  	v14 =	vadd.f32 v17, v14;
	v15 =	vadd.f32 v16, v15;
	_ =	sdelay $0x1  }
0x10f: {  	v14 =	vadd.f32 v15, v14;
	_ =	sdelay $0x1  }
0x110: {  	v14 =	vadd.f32 v14, v18  }
0x111: {  	s3 =	sor.u32 $0x10, s2  }
0x112: {  	s26 =	sor.u32 s3, s28;
	[tilespmem:s1+$0x0] =	vst v14  }
0x113: {  	v14 =	vld [tilespmem:s26+$0x0];
	_ =	sdelay $0x1  }
0x114: {  	v15 =	vld [tilespmem:s26+$0x380]  }
0x115: {  	v16 =	vld [tilespmem:s26+$0x300]  }
0x116: {  	v17 =	vld [tilespmem:s26+$0x280]  }
0x117: {  	v18 =	vld [tilespmem:s26+$0x200]  }
0x118: {  	v19 =	vld [tilespmem:s26+$0x180]  }
0x119: {  	v20 =	vld [tilespmem:s26+$0x100]  }
0x11a: {  	v21 =	vld [tilespmem:s26+$0x80];
	v16 =	vmul.f32 v16, v12  }
0x11b: {  	v17 =	vmul.f32 v17, v11  }
0x11c: {  	v18 =	vmul.f32 v18, v10  }
0x11d: {  	v19 =	vmul.f32 v19, v9  }
0x11e: {  	v15 =	vmul.f32 v15, v13;
	v20 =	vmul.f32 v20, v8;
	v17 =	vadd.f32 v17, v18  }
0x11f: {  	s22 =	sand.u32 $0xF80, s22;
	v14 =	vmul.f32 v14, v6;
	v18 =	vmul.f32 v21, v7  }
0x120: {  	s26 =	sadd.s32 $0x380, s22;
	v19 =	vadd.f32 v19, v20  }
0x121: {  	s3 =	sor.u32 s3, s26;
	v15 =	vadd.f32 v15, v16;
	v14 =	vadd.f32 v18, v14  }
0x122: {  	v16 =	vld [tilespmem:s3+$0x0]  }
0x123: {  	v15 =	vadd.f32 v15, v17;
	v14 =	vadd.f32 v19, v14;
	_ =	sdelay $0x1  }
0x124: {  	v14 =	vadd.f32 v15, v14;
	_ =	sdelay $0x1  }
0x125: {  	v14 =	vadd.f32 v14, v16  }
0x126: {  	s2 =	sor.u32 $0x20, s2  }
0x127: {  	[tilespmem:s3+$0x0] =	vst v14;
	s3 =	sor.u32 s2, s28  }
0x128: {  	v15 =	vld [tilespmem:s3+$0x0]  }
0x129: {  	v16 =	vld [tilespmem:s3+$0x80]  }
0x12a: {  	v17 =	vld [tilespmem:s3+$0x100]  }
0x12b: {  	v18 =	vld [tilespmem:s3+$0x380]  }
0x12c: {  	v19 =	vld [tilespmem:s3+$0x300]  }
0x12d: {  	v20 =	vld [tilespmem:s3+$0x280]  }
0x12e: {  	v21 =	vld [tilespmem:s3+$0x200]  }
0x12f: {  	v22 =	vld [tilespmem:s3+$0x180];
	s3 =	sor.u32 s2, s26  }
0x130: {  	v14 =	vld [tilespmem:s3+$0x0]  }
0x131: {  	v18 =	vmul.f32 v18, v13;
	v19 =	vmul.f32 v19, v12  }
.Ltmp5:
0x132: {  	v23 =	vmul.f32 v15, v6;
	v15 =	vmul.f32 v20, v11;
	(pc) =	sbr.rel @p0 .LBB2_7-.Ltmp5, $4  }
0x133: {  	v20 =	vmul.f32 v16, v7;
	v16 =	vmul.f32 v21, v10  }
0x134: {  	v21 =	vmul.f32 v17, v8;
	v22 =	vmul.f32 v22, v9  }
0x135: {  	v15 =	vadd.f32 v15, v16;
	v16 =	vadd.f32 v18, v19  }
0x136: {  	v17 =	vadd.f32 v20, v23;
	v18 =	vadd.f32 v22, v21  }
0x137: {  	_ = 	snop  }
0x138: {  	v15 =	vadd.f32 v16, v15;
	v17 =	vadd.f32 v18, v17;
	_ =	sdelay $0x1  }
0x139: {  	v15 =	vadd.f32 v15, v17;
	_ =	sdelay $0x1  }
0x13a: {  	v14 =	vadd.f32 v15, v14;
	_ =	sdelay $0x1  }
0x13b: {  	s1 =	sor.u32 s6, s28;
	[tilespmem:s3+$0x0] =	vst v14  }
0x13c: {  	v14 =	vld [tilespmem:s1+$0x0]  }
0x13d: {  	v15 =	vld [tilespmem:s1+$0x80]  }
0x13e: {  	v16 =	vld [tilespmem:s1+$0x100]  }
0x13f: {  	v17 =	vld [tilespmem:s1+$0x180]  }
0x140: {  	v18 =	vld [tilespmem:s1+$0x200]  }
0x141: {  	v19 =	vld [tilespmem:s1+$0x280]  }
0x142: {  	v20 =	vld [tilespmem:s1+$0x300]  }
0x143: {  	v21 =	vld [tilespmem:s1+$0x380];
	_ =	sdelay $0x1  }
0x144: {  	v7 =	vmul.f32 v15, v7;
	v8 =	vmul.f32 v16, v8  }
0x145: {  	v9 =	vmul.f32 v17, v9;
	v10 =	vmul.f32 v18, v10  }
0x146: {  	v11 =	vmul.f32 v19, v11;
	v6 =	vmul.f32 v14, v6  }
0x147: {  	v12 =	vmul.f32 v20, v12;
	v13 =	vmul.f32 v21, v13  }
0x148: {  	v8 =	vadd.f32 v9, v8;
	v9 =	vadd.f32 v11, v10  }
0x149: {  	s6 =	sor.u32 s6, s26;
	v6 =	vadd.f32 v7, v6;
	v7 =	vadd.f32 v13, v12  }
0x14a: {  	v10 =	vld [tilespmem:s6+$0x0]  }
0x14b: {  	v6 =	vadd.f32 v8, v6;
	v7 =	vadd.f32 v7, v9;
	_ =	sdelay $0x1  }
0x14c: {  	v6 =	vadd.f32 v7, v6;
	_ =	sdelay $0x1  }
0x14d: {  	v6 =	vadd.f32 v6, v10;
	_ =	sdelay $0x1  }
0x14e: {  	[tilespmem:s6+$0x0] =	vst v6  }
0x14f: {  	v6 =	vld.msk [tilespmem:s0+$0x188], $0xff;
	_ =	sdelay $0x4  }
0x150: {  	v7 =	vshll.u32 v6, $0x5  }
0x151: {  	v6 =	vand.u32 $0x7, v6;
	v7 =	vand.u32 $0xFFFFFF00, v7  }
0x152: {  	v6 =	vor.u32 v6, v7  }
0x153: {  	v6 =	vperm.xlane v6, v4;
	_ =	sdelay $0x1  }
0x154: {  	v6 =	vadd.s32 v5, v6;
	_ =	sdelay $0x3  }
0x155: {  	s2 =	simm.s32 $0x9380;
	s1 =	simm.s32 $0x0  }
0x156: {  	[tilespmem:s2], [sflag:$0x2] =	stream.indirect_vreg.gather [hbm4b:s31+s1], $0x80, v6, vm0, $0xb8;
	[tilespmem:$0x11380] =	vst v63  }
0x157: {  	s22 =	simm.s32 $0x9B80  }
0x158: {  	[tilespmem:s22], [sflag:$0x2] =	stream.indirect_vreg.gather [hbm4b:s7+s1], $0x80, v6, vm0, $0xb8;
	[tilespmem:$0x11380] =	vst v63  }
0x159: {  	s26 =	smov.u32 s31;
	s31 =	simm.s32 $0xA380  }
0x15a: {  	[tilespmem:s31], [sflag:$0x2] =	stream.indirect_vreg.gather [hbm4b:s8+s1], $0x80, v6, vm0, $0xb8;
	[tilespmem:$0x11380] =	vst v63  }
0x15b: {  	s3 =	simm.s32 $0xAB80  }
0x15c: {  	[tilespmem:s3], [sflag:$0x2] =	stream.indirect_vreg.gather [hbm4b:s9+s1], $0x80, v6, vm0, $0xb8;
	[tilespmem:$0x11380] =	vst v63  }
0x15d: {  	s4 =	simm.s32 $0xB380  }
0x15e: {  	[tilespmem:s4], [sflag:$0x2] =	stream.indirect_vreg.gather [hbm4b:s10+s1], $0x80, v6, vm0, $0xb8;
	[tilespmem:$0x11380] =	vst v63  }
0x15f: {  	s5 =	simm.s32 $0xBB80  }
0x160: {  	[tilespmem:s5], [sflag:$0x2] =	stream.indirect_vreg.gather [hbm4b:s11+s1], $0x80, v6, vm0, $0xb8;
	[tilespmem:$0x11380] =	vst v63  }
0x161: {  	s6 =	simm.s32 $0xC380  }
0x162: {  	[tilespmem:s6], [sflag:$0x2] =	stream.indirect_vreg.gather [hbm4b:s12+s1], $0x80, v6, vm0, $0xb8;
	[tilespmem:$0x11380] =	vst v63  }
0x163: {  	s22 =	simm.s32 $0xCB80  }
0x164: {  	[tilespmem:s22], [sflag:$0x2] =	stream.indirect_vreg.gather [hbm4b:s13+s1], $0x80, v6, vm0, $0xb8;
	[tilespmem:$0x11380] =	vst v63  }
0x165: {  	s31 =	simm.s32 $0xD380  }
0x166: {  	[tilespmem:s31], [sflag:$0x2] =	stream.indirect_vreg.gather [hbm4b:s14+s1], $0x80, v6, vm0, $0xb8;
	[tilespmem:$0x11380] =	vst v63  }
0x167: {  	s3 =	simm.s32 $0xDB80  }
0x168: {  	[tilespmem:s3], [sflag:$0x2] =	stream.indirect_vreg.gather [hbm4b:s15+s1], $0x80, v6, vm0, $0xb8;
	[tilespmem:$0x11380] =	vst v63  }
0x169: {  	s4 =	simm.s32 $0xE380  }
0x16a: {  	[tilespmem:s4], [sflag:$0x2] =	stream.indirect_vreg.gather [hbm4b:s16+s1], $0x80, v6, vm0, $0xb8;
	[tilespmem:$0x11380] =	vst v63  }
0x16b: {  	s5 =	simm.s32 $0xEB80  }
0x16c: {  	[tilespmem:s5], [sflag:$0x2] =	stream.indirect_vreg.gather [hbm4b:s17+s1], $0x80, v6, vm0, $0xb8;
	[tilespmem:$0x11380] =	vst v63  }
0x16d: {  	s6 =	simm.s32 $0xF380  }
0x16e: {  	[tilespmem:s6], [sflag:$0x2] =	stream.indirect_vreg.gather [hbm4b:s18+s1], $0x80, v6, vm0, $0xb8;
	[tilespmem:$0x11380] =	vst v63  }
0x16f: {  	s22 =	simm.s32 $0xFB80  }
0x170: {  	[tilespmem:s22], [sflag:$0x2] =	stream.indirect_vreg.gather [hbm4b:s19+s1], $0x80, v6, vm0, $0xb8;
	[tilespmem:$0x11380] =	vst v63  }
0x171: {  	s31 =	simm.s32 $0x10380  }
0x172: {  	[tilespmem:s31], [sflag:$0x2] =	stream.indirect_vreg.gather [hbm4b:s20+s1], $0x80, v6, vm0, $0xb8;
	[tilespmem:$0x11380] =	vst v63  }
0x173: {  	s3 =	simm.s32 $0x10B80  }
0x174: {  	[tilespmem:s3], [sflag:$0x2] =	stream.indirect_vreg.gather [hbm4b:s21+s1], $0x80, v6, vm0, $0xb8;
	[tilespmem:$0x11380] =	vst v63  }
0x175: {  	_ =	swait.ge [sflag:s23], $0x8000  }
0x176: {  	[sflag:s23] =	ssyncset.done $0x0  }
0x177: {  	[sflag:s23] =	ssyncadd.s32 $0xFFFF8000  }
0x178: {  	v6 =	vld [tilespmem:s0+$0x288];
	_ =	sdelay $0x4  }
0x179: {  	v7 =	vnsel vm1, $0x0, v6  }
0x17a: {  	(xrf2) =	vadd.scan.msk.f32 $0xffff, v7;
	v7 =	vsel vm2, $0x0, v6  }
0x17b: {  	(xrf2) =	vadd.scan.msk.f32 $0xffff, v7;
	v7 =	vsel vm3, $0x0, v6  }
0x17c: {  	(xrf2) =	vadd.scan.msk.f32 $0xffff, v7;
	v7 =	vsel vm4, $0x0, v6  }
0x17d: {  	(xrf2) =	vadd.scan.msk.f32 $0xffff, v7;
	v7 =	vsel vm5, $0x0, v6  }
0x17e: {  	(xrf2) =	vadd.scan.msk.f32 $0xffff, v7;
	v7 =	vsel vm6, $0x0, v6  }
0x17f: {  	s4 =	sand.u32 $0x7C00, s1;
	(xrf2) =	vadd.scan.msk.f32 $0xffff, v7;
	v7 =	vsel vm7, $0x0, v6  }
0x180: {  	s2 =	sand.u32 $0x40, s1;
	s28 =	sadd.s32 $0x9380, s4;
	v6 =	vsel vm8, $0x0, v6;
	(xrf2) =	vadd.scan.msk.f32 $0xffff, v7  }
0x181: {  	s0 =	sor.u32 s2, s28;
	(xrf2) =	vadd.scan.msk.f32 $0xffff, v6  }
0x182: {  	v14 =	vld [tilespmem:s0+$0x80]  }
0x183: {  	v18 =	vld [tilespmem:s0+$0x0]  }
0x184: {  	v15 =	vld [tilespmem:s0+$0x200];
	v6, _, _ =	vpop (xrf2)  }
0x185: {  	v19 =	vld [tilespmem:s0+$0x100];
	v7, _, _ =	vpop (xrf2)  }
0x186: {  	v17 =	vld [tilespmem:s0+$0x180];
	v6 =	vbroadcast v6, $0xF;
	v8, _, _ =	vpop (xrf2)  }
0x187: {  	v16 =	vld [tilespmem:s0+$0x300];
	v7 =	vbroadcast v7, $0xF;
	v9, _, _ =	vpop (xrf2)  }
0x188: {  	v61 =	vld [tilespmem:s0+$0x280];
	v8 =	vbroadcast v8, $0xF;
	v18 =	vmul.f32 v18, v6;
	v10, _, _ =	vpop (xrf2)  }
0x189: {  	v20 =	vld [tilespmem:s0+$0x380];
	v9 =	vbroadcast v9, $0xF;
	v14 =	vmul.f32 v14, v7;
	v11, _, _ =	vpop (xrf2)  }
0x18a: {  	v10 =	vbroadcast v10, $0xF;
	v19 =	vmul.f32 v19, v8;
	v12, _, _ =	vpop (xrf2)  }
0x18b: {  	v11 =	vbroadcast v11, $0xF;
	v17 =	vmul.f32 v17, v9;
	v13, _, _ =	vpop (xrf2)  }
0x18c: {  	v12 =	vbroadcast v12, $0xF;
	v13 =	vbroadcast v13, $0xF  }
0x18d: {  	v15 =	vmul.f32 v15, v10;
	v21 =	vmul.f32 v61, v11  }
0x18e: {  	v16 =	vmul.f32 v16, v12;
	v20 =	vmul.f32 v20, v13  }
0x18f: {  	v14 =	vadd.f32 v14, v18;
	v17 =	vadd.f32 v17, v19  }
0x190: {  	s0 =	simm.s32 $0x380;
	v15 =	vadd.f32 v21, v15;
	v16 =	vadd.f32 v20, v16  }
0x191: {  	v18 =	vld [tilespmem:s0+$0x0]  }
0x192: {  	v14 =	vadd.f32 v17, v14;
	v15 =	vadd.f32 v16, v15;
	_ =	sdelay $0x1  }
0x193: {  	v14 =	vadd.f32 v15, v14;
	_ =	sdelay $0x1  }
0x194: {  	v14 =	vadd.f32 v14, v18  }
0x195: {  	s5 =	sor.u32 $0x10, s2  }
0x196: {  	s4 =	sor.u32 s5, s28;
	[tilespmem:s0+$0x0] =	vst v14  }
0x197: {  	v14 =	vld [tilespmem:s4+$0x0]  }
0x198: {  	v15 =	vld [tilespmem:s4+$0x380]  }
0x199: {  	v16 =	vld [tilespmem:s4+$0x300]  }
0x19a: {  	v17 =	vld [tilespmem:s4+$0x280]  }
0x19b: {  	v18 =	vld [tilespmem:s4+$0x200]  }
0x19c: {  	v19 =	vld [tilespmem:s4+$0x180]  }
0x19d: {  	v20 =	vld [tilespmem:s4+$0x100]  }
0x19e: {  	v62 =	vld [tilespmem:s4+$0x80];
	_ =	sdelay $0x1  }
0x19f: {  	v16 =	vmul.f32 v16, v12;
	v17 =	vmul.f32 v17, v11  }
0x1a0: {  	v18 =	vmul.f32 v18, v10;
	v19 =	vmul.f32 v19, v9  }
0x1a1: {  	v20 =	vmul.f32 v20, v8;
	v15 =	vmul.f32 v15, v13  }
0x1a2: {  	s6 =	sand.u32 $0xF80, s1;
	v14 =	vmul.f32 v14, v6;
	v21 =	vmul.f32 v62, v7  }
0x1a3: {  	s6 =	sadd.s32 $0x380, s6;
	v17 =	vadd.f32 v17, v18;
	v18 =	vadd.f32 v19, v20  }
0x1a4: {  	s3 =	sor.u32 s5, s6;
	v14 =	vadd.f32 v21, v14;
	v15 =	vadd.f32 v15, v16  }
0x1a5: {  	v16 =	vld [tilespmem:s3+$0x0]  }
0x1a6: {  	v14 =	vadd.f32 v18, v14;
	v15 =	vadd.f32 v15, v17;
	_ =	sdelay $0x1  }
0x1a7: {  	v14 =	vadd.f32 v15, v14;
	_ =	sdelay $0x1  }
0x1a8: {  	v14 =	vadd.f32 v14, v16  }
0x1a9: {  	s22 =	sor.u32 $0x20, s2  }
0x1aa: {  	s31 =	sor.u32 s22, s28;
	[tilespmem:s3+$0x0] =	vst v14  }
0x1ab: {  	v14 =	vld [tilespmem:s31+$0x0]  }
0x1ac: {  	v15 =	vld [tilespmem:s31+$0x80]  }
0x1ad: {  	v16 =	vld [tilespmem:s31+$0x100]  }
0x1ae: {  	v17 =	vld [tilespmem:s31+$0x380]  }
0x1af: {  	v18 =	vld [tilespmem:s31+$0x300]  }
0x1b0: {  	v19 =	vld [tilespmem:s31+$0x280]  }
0x1b1: {  	v20 =	vld [tilespmem:s31+$0x200]  }
0x1b2: {  	v63 =	vld [tilespmem:s31+$0x180];
	_ =	sdelay $0x1  }
0x1b3: {  	v18 =	vmul.f32 v18, v12;
	v17 =	vmul.f32 v17, v13  }
0x1b4: {  	v22 =	vmul.f32 v14, v6;
	v14 =	vmul.f32 v19, v11  }
0x1b5: {  	v19 =	vmul.f32 v15, v7;
	v15 =	vmul.f32 v20, v10  }
0x1b6: {  	v20 =	vmul.f32 v16, v8;
	v21 =	vmul.f32 v63, v9  }
0x1b7: {  	s3 =	sor.u32 s22, s6;
	v15 =	vadd.f32 v14, v15;
	v16 =	vadd.f32 v17, v18  }
0x1b8: {  	s5 =	sor.u32 $0x30, s2;
	s4 =	simm.s32 $0x40;
	v14 =	vld [tilespmem:s3+$0x0];
	v17 =	vadd.f32 v19, v22;
	v18 =	vadd.f32 v21, v20  }
.LBB2_9:
0x1b9: {  	p0 =	sne.s32 s4, $0xFC0;
	s1 =	sadd.s32 $0x200, s1;
	s0 =	sadd.s32 $0x40, s0  }
0x1ba: {  	v15 =	vadd.f32 v16, v15;
	s22 =	smov.u32 s4;
	s4 =	sadd.s32 $0x40, s4;
	v17 =	vadd.f32 v18, v17;
	_ =	sdelay $0x1  }
0x1bb: {  	v15 =	vadd.f32 v15, v17;
	_ =	sdelay $0x1  }
0x1bc: {  	v14 =	vadd.f32 v15, v14;
	_ =	sdelay $0x1  }
0x1bd: {  	s2 =	sor.u32 s5, s28;
	[tilespmem:s3+$0x0] =	vst v14  }
0x1be: {  	v14 =	vld [tilespmem:s2+$0x0]  }
0x1bf: {  	v15 =	vld [tilespmem:s2+$0x80]  }
0x1c0: {  	v16 =	vld [tilespmem:s2+$0x100]  }
0x1c1: {  	v17 =	vld [tilespmem:s2+$0x180]  }
0x1c2: {  	v18 =	vld [tilespmem:s2+$0x200]  }
0x1c3: {  	v19 =	vld [tilespmem:s2+$0x280]  }
0x1c4: {  	v15 =	vmul.f32 v15, v7;
	v20 =	vld [tilespmem:s2+$0x300]  }
0x1c5: {  	s3 =	sor.u32 s5, s6;
	v16 =	vmul.f32 v16, v8;
	v21 =	vld [tilespmem:s2+$0x380]  }
0x1c6: {  	v17 =	vmul.f32 v17, v9;
	v22 =	vld [tilespmem:s3+$0x0]  }
0x1c7: {  	v18 =	vmul.f32 v18, v10  }
0x1c8: {  	v19 =	vmul.f32 v19, v11;
	v16 =	vadd.f32 v17, v16  }
0x1c9: {  	v14 =	vmul.f32 v14, v6;
	v17 =	vmul.f32 v20, v12  }
0x1ca: {  	v20 =	vmul.f32 v21, v13;
	v18 =	vadd.f32 v19, v18  }
0x1cb: {  	v14 =	vadd.f32 v15, v14  }
0x1cc: {  	v15 =	vadd.f32 v20, v17  }
0x1cd: {  	v14 =	vadd.f32 v16, v14  }
0x1ce: {  	v15 =	vadd.f32 v15, v18;
	_ =	sdelay $0x1  }
0x1cf: {  	v14 =	vadd.f32 v15, v14  }
0x1d0: {  	s5 =	sand.u32 $0x7C00, s1  }
0x1d1: {  	s28 =	sadd.s32 $0x9380, s5;
	s2 =	sand.u32 $0x40, s22;
	v14 =	vadd.f32 v14, v22  }
0x1d2: {  	s6 =	sor.u32 s2, s28;
	s5 =	sor.u32 $0x30, s2  }
0x1d3: {  	[tilespmem:s3+$0x0] =	vst v14  }
0x1d4: {  	v14 =	vld [tilespmem:s6+$0x80]  }
0x1d5: {  	v15 =	vld [tilespmem:s6+$0x200]  }
0x1d6: {  	v16 =	vld [tilespmem:s6+$0x300]  }
0x1d7: {  	v17 =	vld [tilespmem:s6+$0x180]  }
0x1d8: {  	v18 =	vld [tilespmem:s6+$0x0]  }
0x1d9: {  	v19 =	vld [tilespmem:s6+$0x100]  }
0x1da: {  	v20 =	vld [tilespmem:s6+$0x380]  }
0x1db: {  	v21 =	vld [tilespmem:s6+$0x280];
	_ =	sdelay $0x1  }
0x1dc: {  	v14 =	vmul.f32 v14, v7;
	v15 =	vmul.f32 v15, v10  }
0x1dd: {  	v16 =	vmul.f32 v16, v12;
	v17 =	vmul.f32 v17, v9  }
0x1de: {  	v19 =	vmul.f32 v19, v8;
	v20 =	vmul.f32 v20, v13  }
0x1df: {  	v18 =	vmul.f32 v18, v6;
	v21 =	vmul.f32 v21, v11  }
0x1e0: {  	v17 =	vadd.f32 v17, v19;
	v16 =	vadd.f32 v20, v16  }
0x1e1: {  	v14 =	vadd.f32 v14, v18;
	v15 =	vadd.f32 v21, v15;
	v18 =	vld [tilespmem:s0+$0x0];
	_ =	sdelay $0x1  }
0x1e2: {  	v14 =	vadd.f32 v17, v14;
	v15 =	vadd.f32 v16, v15;
	_ =	sdelay $0x1  }
0x1e3: {  	v14 =	vadd.f32 v15, v14;
	_ =	sdelay $0x1  }
0x1e4: {  	v14 =	vadd.f32 v14, v18  }
0x1e5: {  	s3 =	sor.u32 $0x10, s2  }
0x1e6: {  	s6 =	sor.u32 s3, s28;
	[tilespmem:s0+$0x0] =	vst v14  }
0x1e7: {  	v14 =	vld [tilespmem:s6+$0x0];
	_ =	sdelay $0x1  }
0x1e8: {  	v15 =	vld [tilespmem:s6+$0x380]  }
0x1e9: {  	v16 =	vld [tilespmem:s6+$0x300]  }
0x1ea: {  	v17 =	vld [tilespmem:s6+$0x280]  }
0x1eb: {  	v18 =	vld [tilespmem:s6+$0x200]  }
0x1ec: {  	v19 =	vld [tilespmem:s6+$0x180]  }
0x1ed: {  	v20 =	vld [tilespmem:s6+$0x100]  }
0x1ee: {  	v21 =	vld [tilespmem:s6+$0x80];
	v16 =	vmul.f32 v16, v12  }
0x1ef: {  	v17 =	vmul.f32 v17, v11  }
0x1f0: {  	v18 =	vmul.f32 v18, v10  }
0x1f1: {  	v19 =	vmul.f32 v19, v9  }
0x1f2: {  	v15 =	vmul.f32 v15, v13;
	v20 =	vmul.f32 v20, v8;
	v17 =	vadd.f32 v17, v18  }
0x1f3: {  	v14 =	vmul.f32 v14, v6;
	s6 =	sand.u32 $0xF80, s22;
	v18 =	vmul.f32 v21, v7  }
0x1f4: {  	s6 =	sadd.s32 $0x380, s6;
	v19 =	vadd.f32 v19, v20  }
0x1f5: {  	v15 =	vadd.f32 v15, v16;
	s3 =	sor.u32 s3, s6;
	v14 =	vadd.f32 v18, v14  }
0x1f6: {  	v16 =	vld [tilespmem:s3+$0x0]  }
0x1f7: {  	v15 =	vadd.f32 v15, v17;
	v14 =	vadd.f32 v19, v14;
	_ =	sdelay $0x1  }
0x1f8: {  	v14 =	vadd.f32 v15, v14;
	_ =	sdelay $0x1  }
0x1f9: {  	v14 =	vadd.f32 v14, v16  }
0x1fa: {  	s2 =	sor.u32 $0x20, s2  }
0x1fb: {  	[tilespmem:s3+$0x0] =	vst v14;
	s3 =	sor.u32 s2, s28  }
0x1fc: {  	v15 =	vld [tilespmem:s3+$0x0]  }
0x1fd: {  	v16 =	vld [tilespmem:s3+$0x80]  }
0x1fe: {  	v17 =	vld [tilespmem:s3+$0x100]  }
0x1ff: {  	v18 =	vld [tilespmem:s3+$0x380]  }
0x200: {  	v19 =	vld [tilespmem:s3+$0x300]  }
0x201: {  	v20 =	vld [tilespmem:s3+$0x280]  }
0x202: {  	v21 =	vld [tilespmem:s3+$0x200]  }
0x203: {  	v22 =	vld [tilespmem:s3+$0x180];
	s3 =	sor.u32 s2, s6  }
0x204: {  	v14 =	vld [tilespmem:s3+$0x0]  }
0x205: {  	v18 =	vmul.f32 v18, v13;
	v19 =	vmul.f32 v19, v12  }
.Ltmp6:
0x206: {  	v23 =	vmul.f32 v15, v6;
	v15 =	vmul.f32 v20, v11;
	(pc) =	sbr.rel @p0 .LBB2_9-.Ltmp6, $4  }
0x207: {  	v20 =	vmul.f32 v16, v7;
	v16 =	vmul.f32 v21, v10  }
0x208: {  	v21 =	vmul.f32 v17, v8;
	v22 =	vmul.f32 v22, v9  }
0x209: {  	v15 =	vadd.f32 v15, v16;
	v16 =	vadd.f32 v18, v19  }
0x20a: {  	v17 =	vadd.f32 v20, v23;
	v18 =	vadd.f32 v22, v21  }
0x20b: {  	_ = 	snop  }
0x20c: {  	v15 =	vadd.f32 v16, v15;
	v17 =	vadd.f32 v18, v17;
	_ =	sdelay $0x1  }
0x20d: {  	v15 =	vadd.f32 v15, v17;
	_ =	sdelay $0x1  }
0x20e: {  	v14 =	vadd.f32 v15, v14;
	_ =	sdelay $0x1  }
0x20f: {  	s0 =	sor.u32 s5, s28;
	[tilespmem:s3+$0x0] =	vst v14  }
0x210: {  	v14 =	vld [tilespmem:s0+$0x0]  }
0x211: {  	v58 =	vld [tilespmem:s0+$0x80]  }
0x212: {  	v59 =	vld [tilespmem:s0+$0x100]  }
0x213: {  	v60 =	vld [tilespmem:s0+$0x180]  }
0x214: {  	v61 =	vld [tilespmem:s0+$0x200]  }
0x215: {  	v19 =	vld [tilespmem:s0+$0x280]  }
0x216: {  	v20 =	vld [tilespmem:s0+$0x300]  }
0x217: {  	v21 =	vld [tilespmem:s0+$0x380];
	_ =	sdelay $0x1  }
0x218: {  	v7 =	vmul.f32 v58, v7;
	v8 =	vmul.f32 v59, v8  }
0x219: {  	v9 =	vmul.f32 v60, v9;
	v10 =	vmul.f32 v61, v10  }
0x21a: {  	v11 =	vmul.f32 v19, v11;
	v6 =	vmul.f32 v14, v6  }
0x21b: {  	v12 =	vmul.f32 v20, v12;
	v13 =	vmul.f32 v21, v13  }
0x21c: {  	v8 =	vadd.f32 v9, v8;
	v62 =	vadd.f32 v11, v10  }
0x21d: {  	s31 =	sor.u32 s5, s6;
	v6 =	vadd.f32 v7, v6;
	v7 =	vadd.f32 v13, v12  }
0x21e: {  	v63 =	vld [tilespmem:s31+$0x0]  }
0x21f: {  	s25 =	sadd.s32 $0x1, s25;
	s1 =	rddreg [dreg:$0xb];
	v6 =	vadd.f32 v8, v6;
	v7 =	vadd.f32 v7, v62  }
0x220: {  	p0 =	sne.s32 s25, s1  }
.Ltmp7:
0x221: {  	v6 =	vadd.f32 v7, v6;
	(pc) =	sbr.rel @p0 .LBB2_6-.Ltmp7, $4  }
.Ltmp8:
0x222: {  	_ = 	snop;
	(pc) =	sbr.rel @!p0 .LBB2_11-.Ltmp8, $4  }
0x223: {  	v6 =	vadd.f32 v6, v63  }
0x224: {  	_ = 	snop  }
0x225: {  	[tilespmem:s31+$0x0] =	vst v6  }
0x226: {  	_ = 	snop  }
.LBB2_12:
0x227: {  	_ =	sfence.sel $0x180000  }
0x228: {  	[bflag:$0x0] =	sbarrier.arrive $0xFFFF  }
0x229: {  	_ =	strace $0x90000047  }
0x22a: {  	s0 =	stileid.u32;
	[bflag:$0x2] =	sbarrier.arrive $0xFFFF  }
0x22b: {  	p0 =	sne.s32 s0, $0x0;
	s0 =	rddreg [dreg:$0x3]  }
0x22c: {  	s0 =	sadd.s32 @!p0 $0x100000, s0  }
0x22d: {  	[sflag:s0] =	ssyncadd.tile.s32 @!p0 $0x1;
	_ =	shalt  }
.Lfunc_end2:
_tile_overlayer_lowered:
.L_overlay_start_2:
0x22e: {  	(tag) =	ssettag $0x2  }
0x22f: {  	s0 =	rddreg [dreg:$0x0];
	s2 =	stileid.u32  }
0x230: {  	s1 =	rddreg [dreg:$0x1];
	p0 =	sne.s32 s2, $0x0  }
0x231: {  	s3 =	rddreg [dreg:$0x2];
	[bflag:$0x3] =	sbarrier.arrive $0xFFFF;
	s2 =	simm.s32 @!p0 $0x1C03  }
0x232: {  	[timem:s3], [sflag:s2] =	dma.local @!p0 [hbm:s0], s1  }
0x233: {  	s0 =	simm.s32 @!p0 $0x3  }
0x234: {  	_ =	swait.ge @!p0 [sflag:s0], s1  }
0x235: {  	s1 =	ssub.s32 @!p0 $0x0, s1;
	[sflag:s0] =	ssyncset.done @!p0 $0x0  }
0x236: {  	[sflag:s0] =	ssyncadd.s32 @!p0 s1  }
0x237: {  	[bflag:$0x3] =	sbarrier.arrive $0xFFFF  }
0x238: {  	_ =	shalt  }

</sc_bundles>
